<compile_context>
chip_gen: v7x
topology: tpu7x:2x2x1
jax: 0.10.2.dev20260603
libtpu: 0.0.44.dev20260713+nightly
codegen_flags: <defaults>
</compile_context>

<pallas_src>
import functools

import jax
import jax.numpy as jnp
from jax import lax
from jax.experimental import pallas as pl
from jax.experimental.pallas import tpu as pltpu
from jax.experimental.pallas import tpu_sc as plsc


def _prep_body(x_ref, nw1_ref, nb1_ref, nw2_ref, nb2_ref, w1ab_ref,
               c_ref, hxsum_ref):
    xb = x_ref[...]
    cf = jnp.dot(xb, w1ab_ref[...], preferred_element_type=jnp.float32)
    cu = lax.bitcast_convert_type(cf, jnp.uint32)
    cb = (cu + 0x7FFF + ((cu >> 16) & 1)) >> 16
    nh = cf.shape[1] // 2
    c_ref[...] = lax.bitcast_convert_type(
        cb[:, :nh] | (cb[:, nh:] << 16), jnp.int32)
    t = jnp.maximum(
        jnp.dot(xb, nw1_ref[...], preferred_element_type=jnp.float32)
        + nb1_ref[...], 0.0)
    hx = jnp.maximum(
        jnp.dot(t, nw2_ref[...], preferred_element_type=jnp.float32)
        + nb2_ref[...], 0.0)

    @pl.when(pl.program_id(0) == 0)
    def _():
        hxsum_ref[...] = jnp.zeros_like(hxsum_ref)

    hxsum_ref[...] += jnp.sum(hx, axis=0, keepdims=True)


def _edge_body(gsc_ref, gc_ref, ga_ref, gb_ref, ea_ref, w1c_ref, b1_ref,
               w2_ref, b2_ref, projw_ref, projb_ref, hxsum_ref, rw1_ref,
               rb1_ref, rw2_ref, rb2_ref, msum_ref, ec_ref, out_ref, *,
               n_nodes, n_edges):
    i = pl.program_id(0)

    @pl.when(i == 0)
    def _():
        msum_ref[...] = jnp.zeros_like(msum_ref)
        ec_ref[...] = jnp.zeros_like(ec_ref)

    ea = ea_ref[...]
    z = (ea[:, 2:3] - gc_ref[...]) * gsc_ref[...]
    gate = jnp.maximum(z, 0.0) + jnp.log(1.0 + jnp.exp(-jnp.abs(z))) + 0.001
    c = jnp.dot(ea, w1c_ref[...], preferred_element_type=jnp.float32)
    gau = lax.bitcast_convert_type(ga_ref[...], jnp.uint32)
    gbu = lax.bitcast_convert_type(gb_ref[...], jnp.uint32)
    a = lax.bitcast_convert_type(gau << 16, jnp.float32)
    b = lax.bitcast_convert_type(gbu & jnp.uint32(0xFFFF0000), jnp.float32)
    h1 = jnp.maximum(a + b + c + b1_ref[...], 0.0)
    e = jnp.maximum(
        jnp.dot(h1, w2_ref[...], preferred_element_type=jnp.float32)
        + b2_ref[...], 0.0)
    msum_ref[...] += jnp.sum(gate * e, axis=0, keepdims=True)
    p = jnp.dot(ea, projw_ref[...], preferred_element_type=jnp.float32) \
        + projb_ref[...]
    ec_ref[...] += jnp.sum(gate * p, axis=0, keepdims=True)

    @pl.when(i == pl.num_programs(0) - 1)
    def _():
        node_ctx = hxsum_ref[...] * (1.0 / n_nodes) \
            + msum_ref[...] * (2.0 / n_nodes)
        edge_ctx = ec_ref[...] * (1.0 / (n_edges + 1e-6))
        h = jnp.concatenate([node_ctx, edge_ctx], axis=1)
        r1 = jnp.maximum(
            jnp.dot(h, rw1_ref[...], preferred_element_type=jnp.float32)
            + rb1_ref[...], 0.0)
        out_ref[...] = jnp.dot(
            r1, rw2_ref[...], preferred_element_type=jnp.float32) + rb2_ref[...]


_NC, _NS, _L = 2, 16, 16
_NW = _NC * _NS


def _make_sc_gather(w_dim, rows, n_nodes):
    mp = rows * 128
    rpw = 2 * (-(-rows // _NW) // 2 + 1)
    half = rpw // 2
    cpw = 8 * (-(-n_nodes // _NS) // 8 + 2)
    cstep = (n_nodes - cpw) // (_NS - 1) // 8 * 8
    assert (_NS - 1) * cstep + cpw >= n_nodes and cstep < cpw
    mesh = plsc.VectorSubcoreMesh(core_axis_name="c", subcore_axis_name="s")

    @functools.partial(
        pl.kernel,
        out_type=[
            jax.ShapeDtypeStruct((mp, w_dim), jnp.int32),
            jax.ShapeDtypeStruct((mp, w_dim), jnp.int32),
        ],
        mesh=mesh,
        scratch_types=[
            pltpu.VMEM_SHARED((n_nodes, w_dim), jnp.int32),
            pltpu.VMEM((rpw + 8, 128), jnp.int32),
            pltpu.VMEM((rpw + 8, 128), jnp.int32),
            pltpu.VMEM((128, w_dim), jnp.int32),
            pltpu.VMEM((128, w_dim), jnp.int32),
            pltpu.VMEM((128, w_dim), jnp.int32),
            pltpu.VMEM((128, w_dim), jnp.int32),
            pltpu.SemaphoreType.DMA,
            pltpu.SemaphoreType.DMA,
            pltpu.SemaphoreType.DMA,
            pltpu.SemaphoreType.DMA,
            pltpu.SemaphoreType.DMA,
            pltpu.SemaphoreType.DMA,
            pltpu.SemaphoreType.DMA,
            pltpu.SemaphoreType.DMA,
        ],
    )
    def gather_kernel(c_hbm, src_hbm, dst_hbm, ga_hbm, gb_hbm,
                      c_sp, idxa, idxb, ba0, ba1, bb0, bb1,
                      sga0, sga1, sgb0, sgb1, swa0, swa1, swb0, swb1):
        sid = lax.axis_index("s")
        wid = sid * _NC + lax.axis_index("c")
        cstart = sid * cstep
        pltpu.sync_copy(c_hbm.at[pl.ds(cstart, cpw)],
                        c_sp.at[pl.ds(cstart, cpw)])
        plsc.subcore_barrier()
        start = (wid * (rows - rpw)) // (_NW - 1)
        astart = start // 8 * 8
        off = start - astart
        pltpu.sync_copy(src_hbm.at[pl.ds(astart, rpw + 8)], idxa)
        pltpu.sync_copy(dst_hbm.at[pl.ds(astart, rpw + 8)], idxb)

        def step(i, carry):
            s0 = 2 * i + off
            s1 = s0 + 1
            e0 = (astart + s0) * 128
            e1 = (astart + s1) * 128

            @pl.when(i > 0)
            def _():
                pltpu.make_async_copy(
                    ba0, ga_hbm.at[pl.ds(e0, 128)], swa0).wait()
                pltpu.make_async_copy(
                    bb0, gb_hbm.at[pl.ds(e0, 128)], swb0).wait()
                pltpu.make_async_copy(
                    ba1, ga_hbm.at[pl.ds(e1, 128)], swa1).wait()
                pltpu.make_async_copy(
                    bb1, gb_hbm.at[pl.ds(e1, 128)], swb1).wait()

            cpa0 = pltpu.async_copy(c_sp.at[idxa.at[s0]], ba0, sga0)
            cpb0 = pltpu.async_copy(c_sp.at[idxb.at[s0]], bb0, sgb0)
            cpa1 = pltpu.async_copy(c_sp.at[idxa.at[s1]], ba1, sga1)
            cpb1 = pltpu.async_copy(c_sp.at[idxb.at[s1]], bb1, sgb1)
            cpa0.wait()
            pltpu.async_copy(ba0, ga_hbm.at[pl.ds(e0, 128)], swa0)
            cpb0.wait()
            pltpu.async_copy(bb0, gb_hbm.at[pl.ds(e0, 128)], swb0)
            cpa1.wait()
            pltpu.async_copy(ba1, ga_hbm.at[pl.ds(e1, 128)], swa1)
            cpb1.wait()
            pltpu.async_copy(bb1, gb_hbm.at[pl.ds(e1, 128)], swb1)
            return carry

        lax.fori_loop(0, half, step, 0)
        el = (start + rpw - 2) * 128
        pltpu.make_async_copy(ba0, ga_hbm.at[pl.ds(el, 128)], swa0).wait()
        pltpu.make_async_copy(bb0, gb_hbm.at[pl.ds(el, 128)], swb0).wait()
        pltpu.make_async_copy(
            ba1, ga_hbm.at[pl.ds(el + 128, 128)], swa1).wait()
        pltpu.make_async_copy(
            bb1, gb_hbm.at[pl.ds(el + 128, 128)], swb1).wait()

    return gather_kernel


def kernel(x, edge_index, edge_attr, node_w1, node_b1, node_w2, node_b2,
           edge_w1, edge_b1, edge_w2, edge_b2, proj_w, proj_b, read_w1,
           read_b1, read_w2, read_b2, gate_scale, g_gate_center):
    n, fx = x.shape
    m, fe = edge_attr.shape
    h = node_w1.shape[1]

    w1ab = jnp.concatenate([edge_w1[:fx], edge_w1[fx:2 * fx]], axis=1)
    w1c = edge_w1[2 * fx:]
    wdim = 2 * h

    bn = 2000
    assert n % bn == 0
    prep = pl.pallas_call(
        _prep_body,
        grid=(n // bn,),
        in_specs=[
            pl.BlockSpec((bn, fx), lambda i: (i, 0)),
            pl.BlockSpec((fx, h), lambda i: (0, 0)),
            pl.BlockSpec((1, h), lambda i: (0, 0)),
            pl.BlockSpec((h, h), lambda i: (0, 0)),
            pl.BlockSpec((1, h), lambda i: (0, 0)),
            pl.BlockSpec((fx, wdim), lambda i: (0, 0)),
        ],
        out_specs=[
            pl.BlockSpec((bn, h), lambda i: (i, 0)),
            pl.BlockSpec((1, h), lambda i: (0, 0)),
        ],
        out_shape=[
            jax.ShapeDtypeStruct((n, h), jnp.int32),
            jax.ShapeDtypeStruct((1, h), jnp.float32),
        ],
    )
    c_tab, hxsum = prep(x, node_w1, node_b1.reshape(1, h), node_w2,
                        node_b2.reshape(1, h), w1ab)

    assert m % 128 == 0
    rows = m // 128
    src2d = jnp.pad(edge_index[0].reshape(rows, 128), ((0, 8), (0, 0)))
    dst2d = jnp.pad(edge_index[1].reshape(rows, 128), ((0, 8), (0, 0)))
    ga, gb = _make_sc_gather(h, rows, n)(c_tab, src2d, dst2d)

    bm = 2000
    assert m % bm == 0
    egrid = m // bm
    rw2p = jnp.zeros((h, 128), jnp.float32).at[:, :read_w2.shape[1]].set(read_w2)
    rb2p = jnp.zeros((1, 128), jnp.float32).at[:, :read_b2.shape[0]].set(
        read_b2.reshape(1, -1))
    edge_call = pl.pallas_call(
        functools.partial(_edge_body, n_nodes=float(n), n_edges=float(m)),
        grid=(egrid,),
        in_specs=[
            pl.BlockSpec((1, 1), lambda i: (0, 0)),
            pl.BlockSpec((1, 1), lambda i: (0, 0)),
            pl.BlockSpec((bm, h), lambda i: (i, 0)),
            pl.BlockSpec((bm, h), lambda i: (i, 0)),
            pl.BlockSpec((bm, fe), lambda i: (i, 0)),
            pl.BlockSpec((fe, h), lambda i: (0, 0)),
            pl.BlockSpec((1, h), lambda i: (0, 0)),
            pl.BlockSpec((h, h), lambda i: (0, 0)),
            pl.BlockSpec((1, h), lambda i: (0, 0)),
            pl.BlockSpec((fe, h), lambda i: (0, 0)),
            pl.BlockSpec((1, h), lambda i: (0, 0)),
            pl.BlockSpec((1, h), lambda i: (0, 0)),
            pl.BlockSpec((2 * h, 64), lambda i: (0, 0)),
            pl.BlockSpec((1, 64), lambda i: (0, 0)),
            pl.BlockSpec((h, 128), lambda i: (0, 0)),
            pl.BlockSpec((1, 128), lambda i: (0, 0)),
        ],
        out_specs=[
            pl.BlockSpec((1, h), lambda i: (0, 0)),
            pl.BlockSpec((1, h), lambda i: (0, 0)),
            pl.BlockSpec((1, 128), lambda i: (0, 0)),
        ],
        out_shape=[
            jax.ShapeDtypeStruct((1, h), jnp.float32),
            jax.ShapeDtypeStruct((1, h), jnp.float32),
            jax.ShapeDtypeStruct((1, 128), jnp.float32),
        ],
    )
    gsc = gate_scale.astype(jnp.float32).reshape(1, 1)
    gc = g_gate_center.astype(jnp.float32).reshape(1, 1)
    _, _, out128 = edge_call(
        gsc, gc, ga, gb, edge_attr, w1c, edge_b1.reshape(1, h),
        edge_w2, edge_b2.reshape(1, h), proj_w, proj_b.reshape(1, h), hxsum,
        read_w1, read_b1.reshape(1, 64), rw2p, rb2p)
    return out128[0, :read_w2.shape[1]]

# --- scband reference (transcript-rebuilt; emitter-appended) ---
"""Pipeline reference for scband-graph-batch-net-amp-16604343566363 (READ-ONLY COPY).

The authoritative reference and input builder live on the scoring server;
editing this copy changes nothing except your own understanding.
"""

import jax, jax.numpy as jnp
import numpy as np

N, FX, M, FE, H = 10000, 128, 320000, 4, 64

def setup_inputs(seed: int = 0):
    key = jax.random.key(seed)
    ks = jax.random.split(key, 16)
    def p(k, shape, s=0.05):
        return jax.random.normal(k, shape, dtype=jnp.float32) * s
    inp = {}
    inp['x'] = jax.random.normal(ks[0], (N, FX), dtype=jnp.float32)
    inp['edge_index'] = jax.random.randint(ks[1], (2, M), 0, N, dtype=jnp.int32)
    inp['edge_attr'] = jax.random.uniform(ks[2], (M, FE), dtype=jnp.float32)
    inp['node_w1'] = p(ks[3], (FX, H)); inp['node_b1'] = jnp.zeros((H,), jnp.float32)
    inp['node_w2'] = p(ks[4], (H, H)); inp['node_b2'] = jnp.zeros((H,), jnp.float32)
    inp['edge_w1'] = p(ks[5], (2 * FX + FE, H)); inp['edge_b1'] = jnp.zeros((H,), jnp.float32)
    inp['edge_w2'] = p(ks[6], (H, H)); inp['edge_b2'] = jnp.zeros((H,), jnp.float32)
    inp['proj_w'] = p(ks[7], (FE, H)); inp['proj_b'] = jnp.zeros((H,), jnp.float32)
    inp['read_w1'] = p(ks[8], (2 * H, 64)); inp['read_b1'] = jnp.zeros((64,), jnp.float32)
    inp['read_w2'] = p(ks[9], (64, 2)); inp['read_b2'] = jnp.zeros((2,), jnp.float32)
    inp['gate_scale'] = jnp.array(8.0, dtype=jnp.float32)
    inp['g_gate_center'] = jnp.array(0.35, dtype=jnp.float32)
    return inp

def reference(x, edge_index, edge_attr, node_w1, node_b1, node_w2, node_b2, edge_w1, edge_b1, edge_w2, edge_b2, proj_w, proj_b, read_w1, read_b1, read_w2, read_b2, gate_scale, g_gate_center):
    src = edge_index[0]
    dst = edge_index[1]
    # node_mlp: Linear -> ReLU -> Linear, then extra torch.relu
    Hx = jax.nn.relu(jnp.dot(jax.nn.relu(jnp.dot(x, node_w1) + node_b1), node_w2) + node_b2)
    # gate from g_mem column only
    g_raw = edge_attr[:, 2:3]
    gate = jax.nn.softplus(gate_scale * (g_raw - g_gate_center)) + 0.001
    # edge messages (eval mode: no edge dropout)
    e_in = jnp.concatenate([x[src], x[dst], edge_attr], axis=1)
    e = jax.nn.relu(jnp.dot(jax.nn.relu(jnp.dot(e_in, edge_w1) + edge_b1), edge_w2) + edge_b2)
    m = gate * e
    # symmetric scatter-add to both endpoints
    agg = jnp.zeros_like(Hx).at[src].add(m).at[dst].add(m)
    Hn = Hx + agg
    n_edges = edge_attr.shape[0]
    edge_ctx = jnp.sum(gate * (jnp.dot(edge_attr, proj_w) + proj_b), axis=0) / (n_edges + 1e-06)
    node_ctx = jnp.mean(Hn, axis=0)
    h = jnp.concatenate([node_ctx, edge_ctx], axis=0)
    out = jnp.dot(jax.nn.relu(jnp.dot(h, read_w1) + read_b1), read_w2) + read_b2
    return out

if __name__ == "__main__":
    import jax
    _d = setup_inputs()
    print(jax.jit(kernel)(*tuple(_d.values())))

</pallas_src>

<mosaic_0001>
#map = affine_map<(d0, d1) -> (0, 0)>
module attributes {stable_mosaic.version = 14 : i64} {
  func.func @gather_kernel(%arg0: i32, %arg1: i32, %arg2: memref<10000x64xi32, #tpu.memory_space<hbm>>, %arg3: memref<2508x128xi32, #tpu.memory_space<hbm>>, %arg4: memref<2508x128xi32, #tpu.memory_space<hbm>>, %arg5: memref<320000x64xi32, #tpu.memory_space<hbm>>, %arg6: memref<320000x64xi32, #tpu.memory_space<hbm>>, %arg7: memref<10000x64xi32, #tpu.memory_space<vmem_shared>>, %arg8: memref<88x128xi32, #tpu.memory_space<vmem>>, %arg9: memref<88x128xi32, #tpu.memory_space<vmem>>, %arg10: memref<128x64xi32, #tpu.memory_space<vmem>>, %arg11: memref<128x64xi32, #tpu.memory_space<vmem>>, %arg12: memref<128x64xi32, #tpu.memory_space<vmem>>, %arg13: memref<128x64xi32, #tpu.memory_space<vmem>>, %arg14: memref<!tpu.dma_semaphore, #tpu.memory_space<semaphore_mem>>, %arg15: memref<!tpu.dma_semaphore, #tpu.memory_space<semaphore_mem>>, %arg16: memref<!tpu.dma_semaphore, #tpu.memory_space<semaphore_mem>>, %arg17: memref<!tpu.dma_semaphore, #tpu.memory_space<semaphore_mem>>, %arg18: memref<!tpu.dma_semaphore, #tpu.memory_space<semaphore_mem>>, %arg19: memref<!tpu.dma_semaphore, #tpu.memory_space<semaphore_mem>>, %arg20: memref<!tpu.dma_semaphore, #tpu.memory_space<semaphore_mem>>, %arg21: memref<!tpu.dma_semaphore, #tpu.memory_space<semaphore_mem>>) attributes {dimension_semantics = [#tpu.dimension_semantics<core_parallel>, #tpu.dimension_semantics<subcore_parallel>], iteration_bounds = array<i64: 2, 16>, scalar_prefetch = 0 : i64, scratch_operands = 15 : i64, tpu.core_type = #tpu.core_type<sc_vector_subcore>, window_params = [{transform_indices = #map}, {transform_indices = #map}, {transform_indices = #map}, {transform_indices = #map}, {transform_indices = #map}]} {
    %mul3A = arith.constant 2 : i32
    %mul3A_0 = arith.muli %arg1, %mul3A : i32
    %add3A = arith.addi %mul3A_0, %arg0 : i32
    %mul3A_1 = arith.constant 624 : i32
    %mul3A_2 = arith.muli %arg1, %mul3A_1 : i32
    "tpu.region"() ({
      %run_scoped3A = tpu.sem_alloc : memref<!tpu.dma_semaphore, #tpu.memory_space<semaphore_mem>>
      %dma_start3A = arith.constant 0 : i32
      %dma_start3A_78 = tpu.memref_slice %arg7[%mul3A_2, %dma_start3A] : memref<10000x64xi32, #tpu.memory_space<vmem_shared>> -> memref<640x64xi32, #tpu.memory_space<vmem_shared>>
      %dma_start3A_79 = arith.constant 0 : i32
      %dma_start3A_80 = tpu.memref_slice %arg2[%mul3A_2, %dma_start3A_79] : memref<10000x64xi32, #tpu.memory_space<hbm>> -> memref<640x64xi32, #tpu.memory_space<hbm>>
      tpu.enqueue_dma source(%dma_start3A_80 : memref<640x64xi32, #tpu.memory_space<hbm>>) target(%dma_start3A_78 : memref<640x64xi32, #tpu.memory_space<vmem_shared>>) target_semaphore(%run_scoped3A : memref<!tpu.dma_semaphore, #tpu.memory_space<semaphore_mem>>)
      %dma_wait3A_81 = arith.constant 0 : i32
      %dma_wait3A_82 = tpu.memref_slice %arg7[%mul3A_2, %dma_wait3A_81] : memref<10000x64xi32, #tpu.memory_space<vmem_shared>> -> memref<640x64xi32, #tpu.memory_space<vmem_shared>>
      %dma_wait3A_83 = arith.constant 0 : i32
      %dma_wait3A_84 = tpu.memref_slice %arg2[%mul3A_2, %dma_wait3A_83] : memref<10000x64xi32, #tpu.memory_space<hbm>> -> memref<640x64xi32, #tpu.memory_space<hbm>>
      tpu.wait_dma2 semaphore(%run_scoped3A : memref<!tpu.dma_semaphore, #tpu.memory_space<semaphore_mem>>) src(%dma_wait3A_84 : memref<640x64xi32, #tpu.memory_space<hbm>>) dst(%dma_wait3A_82 : memref<640x64xi32, #tpu.memory_space<vmem_shared>>)
      tpu.yield
    }) : () -> ()
    %barrier3A = arith.constant 0 : index
    tpu.barrier barrier_id(%barrier3A)
    %mul3A_3 = arith.constant 2420 : i32
    %mul3A_4 = arith.muli %add3A, %mul3A_3 : i32
    %jit3A = arith.constant 31 : i32
    %div3A = arith.divsi %mul3A_4, %jit3A : i32
    %sign3A = arith.constant 0 : i32
    %sign3A_5 = arith.cmpi sgt, %mul3A_4, %sign3A : i32
    %sign3A_6 = arith.extui %sign3A_5 : i1 to i32
    %sign3A_7 = arith.constant 0 : i32
    %sign3A_8 = arith.cmpi slt, %mul3A_4, %sign3A_7 : i32
    %sign3A_9 = arith.extui %sign3A_8 : i1 to i32
    %sign3A_10 = arith.subi %sign3A_6, %sign3A_9 : i32
    %sign3A_11 = arith.constant 0 : i32
    %sign3A_12 = arith.cmpi sgt, %jit3A, %sign3A_11 : i32
    %sign3A_13 = arith.extui %sign3A_12 : i1 to i32
    %sign3A_14 = arith.constant 0 : i32
    %sign3A_15 = arith.cmpi slt, %jit3A, %sign3A_14 : i32
    %sign3A_16 = arith.extui %sign3A_15 : i1 to i32
    %sign3A_17 = arith.subi %sign3A_13, %sign3A_16 : i32
    %ne3A = arith.cmpi ne, %sign3A_10, %sign3A_17 : i32
    %rem3A = arith.remsi %mul3A_4, %jit3A : i32
    %ne3A_18 = arith.constant 0 : i32
    %ne3A_19 = arith.cmpi ne, %rem3A, %ne3A_18 : i32
    %and3A = arith.andi %ne3A, %ne3A_19 : i1
    %sub3A = arith.constant 1 : i32
    %sub3A_20 = arith.subi %div3A, %sub3A : i32
    %select_n3A = arith.select %and3A, %sub3A_20, %div3A : i32
    %jit3A_21 = arith.constant 8 : i32
    %div3A_22 = arith.divsi %select_n3A, %jit3A_21 : i32
    %sign3A_23 = arith.constant 0 : i32
    %sign3A_24 = arith.cmpi sgt, %select_n3A, %sign3A_23 : i32
    %sign3A_25 = arith.extui %sign3A_24 : i1 to i32
    %sign3A_26 = arith.constant 0 : i32
    %sign3A_27 = arith.cmpi slt, %select_n3A, %sign3A_26 : i32
    %sign3A_28 = arith.extui %sign3A_27 : i1 to i32
    %sign3A_29 = arith.subi %sign3A_25, %sign3A_28 : i32
    %sign3A_30 = arith.constant 0 : i32
    %sign3A_31 = arith.cmpi sgt, %jit3A_21, %sign3A_30 : i32
    %sign3A_32 = arith.extui %sign3A_31 : i1 to i32
    %sign3A_33 = arith.constant 0 : i32
    %sign3A_34 = arith.cmpi slt, %jit3A_21, %sign3A_33 : i32
    %sign3A_35 = arith.extui %sign3A_34 : i1 to i32
    %sign3A_36 = arith.subi %sign3A_32, %sign3A_35 : i32
    %ne3A_37 = arith.cmpi ne, %sign3A_29, %sign3A_36 : i32
    %rem3A_38 = arith.remsi %select_n3A, %jit3A_21 : i32
    %ne3A_39 = arith.constant 0 : i32
    %ne3A_40 = arith.cmpi ne, %rem3A_38, %ne3A_39 : i32
    %and3A_41 = arith.andi %ne3A_37, %ne3A_40 : i1
    %sub3A_42 = arith.constant 1 : i32
    %sub3A_43 = arith.subi %div3A_22, %sub3A_42 : i32
    %select_n3A_44 = arith.select %and3A_41, %sub3A_43, %div3A_22 : i32
    %mul3A_45 = arith.constant 8 : i32
    %mul3A_46 = arith.muli %select_n3A_44, %mul3A_45 : i32
    %sub3A_47 = arith.subi %select_n3A, %mul3A_46 : i32
    "tpu.region"() ({
      %run_scoped3A = tpu.sem_alloc : memref<!tpu.dma_semaphore, #tpu.memory_space<semaphore_mem>>
      %dma_start3A = arith.constant 0 : i32
      %dma_start3A_78 = tpu.memref_slice %arg3[%mul3A_46, %dma_start3A] : memref<2508x128xi32, #tpu.memory_space<hbm>> -> memref<88x128xi32, #tpu.memory_space<hbm>>
      %dma_start3A_79 = arith.constant 0 : i32
      %dma_start3A_80 = tpu.memref_slice %arg3[%mul3A_46, %dma_start3A_79] : memref<2508x128xi32, #tpu.memory_space<hbm>> -> memref<88x128xi32, #tpu.memory_space<hbm>>
      tpu.enqueue_dma source(%dma_start3A_80 : memref<88x128xi32, #tpu.memory_space<hbm>>) target(%arg8 : memref<88x128xi32, #tpu.memory_space<vmem>>) target_semaphore(%run_scoped3A : memref<!tpu.dma_semaphore, #tpu.memory_space<semaphore_mem>>)
      %dma_wait3A_81 = arith.constant 0 : i32
      %dma_wait3A_82 = tpu.memref_slice %arg3[%mul3A_46, %dma_wait3A_81] : memref<2508x128xi32, #tpu.memory_space<hbm>> -> memref<88x128xi32, #tpu.memory_space<hbm>>
      %dma_wait3A_83 = arith.constant 0 : i32
      %dma_wait3A_84 = tpu.memref_slice %arg3[%mul3A_46, %dma_wait3A_83] : memref<2508x128xi32, #tpu.memory_space<hbm>> -> memref<88x128xi32, #tpu.memory_space<hbm>>
      tpu.wait_dma2 semaphore(%run_scoped3A : memref<!tpu.dma_semaphore, #tpu.memory_space<semaphore_mem>>) src(%dma_wait3A_84 : memref<88x128xi32, #tpu.memory_space<hbm>>) dst(%arg8 : memref<88x128xi32, #tpu.memory_space<vmem>>)
      tpu.yield
    }) : () -> ()
    "tpu.region"() ({
      %run_scoped3A = tpu.sem_alloc : memref<!tpu.dma_semaphore, #tpu.memory_space<semaphore_mem>>
      %dma_start3A = arith.constant 0 : i32
      %dma_start3A_78 = tpu.memref_slice %arg4[%mul3A_46, %dma_start3A] : memref<2508x128xi32, #tpu.memory_space<hbm>> -> memref<88x128xi32, #tpu.memory_space<hbm>>
      %dma_start3A_79 = arith.constant 0 : i32
      %dma_start3A_80 = tpu.memref_slice %arg4[%mul3A_46, %dma_start3A_79] : memref<2508x128xi32, #tpu.memory_space<hbm>> -> memref<88x128xi32, #tpu.memory_space<hbm>>
      tpu.enqueue_dma source(%dma_start3A_80 : memref<88x128xi32, #tpu.memory_space<hbm>>) target(%arg9 : memref<88x128xi32, #tpu.memory_space<vmem>>) target_semaphore(%run_scoped3A : memref<!tpu.dma_semaphore, #tpu.memory_space<semaphore_mem>>)
      %dma_wait3A_81 = arith.constant 0 : i32
      %dma_wait3A_82 = tpu.memref_slice %arg4[%mul3A_46, %dma_wait3A_81] : memref<2508x128xi32, #tpu.memory_space<hbm>> -> memref<88x128xi32, #tpu.memory_space<hbm>>
      %dma_wait3A_83 = arith.constant 0 : i32
      %dma_wait3A_84 = tpu.memref_slice %arg4[%mul3A_46, %dma_wait3A_83] : memref<2508x128xi32, #tpu.memory_space<hbm>> -> memref<88x128xi32, #tpu.memory_space<hbm>>
      tpu.wait_dma2 semaphore(%run_scoped3A : memref<!tpu.dma_semaphore, #tpu.memory_space<semaphore_mem>>) src(%dma_wait3A_84 : memref<88x128xi32, #tpu.memory_space<hbm>>) dst(%arg9 : memref<88x128xi32, #tpu.memory_space<vmem>>)
      tpu.yield
    }) : () -> ()
    %scan3A = arith.constant 0 : i32
    %scan3A_48 = arith.constant 0 : i32
    %scan3A_49 = arith.constant 40 : i32
    %scan3A_50 = arith.addi %scan3A_48, %scan3A_49 : i32
    %scan3A_51 = arith.constant 1 : i32
    scf.for %scan3A_78 = %scan3A_48 to %scan3A_50 step %scan3A_51  : i32 {
      %mul3A_79 = arith.constant 2 : i32
      %mul3A_80 = arith.muli %mul3A_79, %scan3A_78 : i32
      %add3A_81 = arith.addi %mul3A_80, %sub3A_47 : i32
      %add3A_82 = arith.constant 1 : i32
      %add3A_83 = arith.addi %add3A_81, %add3A_82 : i32
      %add3A_84 = arith.addi %mul3A_46, %add3A_81 : i32
      %mul3A_85 = arith.constant 128 : i32
      %mul3A_86 = arith.muli %add3A_84, %mul3A_85 : i32
      %add3A_87 = arith.addi %mul3A_46, %add3A_83 : i32
      %mul3A_88 = arith.constant 128 : i32
      %mul3A_89 = arith.muli %add3A_87, %mul3A_88 : i32
      %gt3A = arith.constant 0 : i32
      %gt3A_90 = arith.cmpi sgt, %scan3A_78, %gt3A : i32
      %convert_element_type3A = arith.extui %gt3A_90 : i1 to i32
      %cond3A = arith.constant 0 : i32
      %cond3A_91 = arith.cmpi ne, %convert_element_type3A, %cond3A : i32
      scf.if %cond3A_91 {
        %dma_wait3A_155 = arith.constant 0 : i32
        %dma_wait3A_156 = tpu.memref_slice %arg5[%mul3A_86, %dma_wait3A_155] : memref<320000x64xi32, #tpu.memory_space<hbm>> -> memref<128x64xi32, #tpu.memory_space<hbm>>
        %dma_wait3A_157 = arith.constant 0 : i32
        %dma_wait3A_158 = tpu.memref_slice %arg5[%mul3A_86, %dma_wait3A_157] : memref<320000x64xi32, #tpu.memory_space<hbm>> -> memref<128x64xi32, #tpu.memory_space<hbm>>
        tpu.wait_dma2 semaphore(%arg18 : memref<!tpu.dma_semaphore, #tpu.memory_space<semaphore_mem>>) src(%arg10 : memref<128x64xi32, #tpu.memory_space<vmem>>) dst(%dma_wait3A_158 : memref<128x64xi32, #tpu.memory_space<hbm>>)
        %dma_wait3A_159 = arith.constant 0 : i32
        %dma_wait3A_160 = tpu.memref_slice %arg6[%mul3A_86, %dma_wait3A_159] : memref<320000x64xi32, #tpu.memory_space<hbm>> -> memref<128x64xi32, #tpu.memory_space<hbm>>
        %dma_wait3A_161 = arith.constant 0 : i32
        %dma_wait3A_162 = tpu.memref_slice %arg6[%mul3A_86, %dma_wait3A_161] : memref<320000x64xi32, #tpu.memory_space<hbm>> -> memref<128x64xi32, #tpu.memory_space<hbm>>
        tpu.wait_dma2 semaphore(%arg20 : memref<!tpu.dma_semaphore, #tpu.memory_space<semaphore_mem>>) src(%arg12 : memref<128x64xi32, #tpu.memory_space<vmem>>) dst(%dma_wait3A_162 : memref<128x64xi32, #tpu.memory_space<hbm>>)
        %dma_wait3A_163 = arith.constant 0 : i32
        %dma_wait3A_164 = tpu.memref_slice %arg5[%mul3A_89, %dma_wait3A_163] : memref<320000x64xi32, #tpu.memory_space<hbm>> -> memref<128x64xi32, #tpu.memory_space<hbm>>
        %dma_wait3A_165 = arith.constant 0 : i32
        %dma_wait3A_166 = tpu.memref_slice %arg5[%mul3A_89, %dma_wait3A_165] : memref<320000x64xi32, #tpu.memory_space<hbm>> -> memref<128x64xi32, #tpu.memory_space<hbm>>
        tpu.wait_dma2 semaphore(%arg19 : memref<!tpu.dma_semaphore, #tpu.memory_space<semaphore_mem>>) src(%arg11 : memref<128x64xi32, #tpu.memory_space<vmem>>) dst(%dma_wait3A_166 : memref<128x64xi32, #tpu.memory_space<hbm>>)
        %dma_wait3A_167 = arith.constant 0 : i32
        %dma_wait3A_168 = tpu.memref_slice %arg6[%mul3A_89, %dma_wait3A_167] : memref<320000x64xi32, #tpu.memory_space<hbm>> -> memref<128x64xi32, #tpu.memory_space<hbm>>
        %dma_wait3A_169 = arith.constant 0 : i32
        %dma_wait3A_170 = tpu.memref_slice %arg6[%mul3A_89, %dma_wait3A_169] : memref<320000x64xi32, #tpu.memory_space<hbm>> -> memref<128x64xi32, #tpu.memory_space<hbm>>
        tpu.wait_dma2 semaphore(%arg21 : memref<!tpu.dma_semaphore, #tpu.memory_space<semaphore_mem>>) src(%arg13 : memref<128x64xi32, #tpu.memory_space<vmem>>) dst(%dma_wait3A_170 : memref<128x64xi32, #tpu.memory_space<hbm>>)
      } else {
      }
      %dma_start3A = arith.constant 0 : i32
      %dma_start3A_92 = tpu.memref_slice %arg8[%add3A_81, %dma_start3A] : memref<88x128xi32, #tpu.memory_space<vmem>> -> memref<1x128xi32, #tpu.memory_space<vmem>>
      %dma_start3A_93 = tpu.memref_squeeze %dma_start3A_92 : memref<1x128xi32, #tpu.memory_space<vmem>> -> memref<128xi32, #tpu.memory_space<vmem>>
      %dma_start3A_94 = arith.constant 0 : i32
      %dma_start3A_95 = arith.constant 0 : i32
      %dma_start3A_96 = tpu.memref_slice %arg7[%dma_start3A_94, %dma_start3A_95] : memref<10000x64xi32, #tpu.memory_space<vmem_shared>> -> memref<10000x64xi32, #tpu.memory_space<vmem_shared>>
      tpu.enqueue_indirect_dma source(%dma_start3A_96 : memref<10000x64xi32, #tpu.memory_space<vmem_shared>>) target(%arg10 : memref<128x64xi32, #tpu.memory_space<vmem>>) offsets(%dma_start3A_93 : memref<128xi32, #tpu.memory_space<vmem>>) semaphore(%arg14 : memref<!tpu.dma_semaphore, #tpu.memory_space<semaphore_mem>>)
      %dma_start3A_97 = arith.constant 0 : i32
      %dma_start3A_98 = tpu.memref_slice %arg9[%add3A_81, %dma_start3A_97] : memref<88x128xi32, #tpu.memory_space<vmem>> -> memref<1x128xi32, #tpu.memory_space<vmem>>
      %dma_start3A_99 = tpu.memref_squeeze %dma_start3A_98 : memref<1x128xi32, #tpu.memory_space<vmem>> -> memref<128xi32, #tpu.memory_space<vmem>>
      %dma_start3A_100 = arith.constant 0 : i32
      %dma_start3A_101 = arith.constant 0 : i32
      %dma_start3A_102 = tpu.memref_slice %arg7[%dma_start3A_100, %dma_start3A_101] : memref<10000x64xi32, #tpu.memory_space<vmem_shared>> -> memref<10000x64xi32, #tpu.memory_space<vmem_shared>>
      tpu.enqueue_indirect_dma source(%dma_start3A_102 : memref<10000x64xi32, #tpu.memory_space<vmem_shared>>) target(%arg12 : memref<128x64xi32, #tpu.memory_space<vmem>>) offsets(%dma_start3A_99 : memref<128xi32, #tpu.memory_space<vmem>>) semaphore(%arg16 : memref<!tpu.dma_semaphore, #tpu.memory_space<semaphore_mem>>)
      %dma_start3A_103 = arith.constant 0 : i32
      %dma_start3A_104 = tpu.memref_slice %arg8[%add3A_83, %dma_start3A_103] : memref<88x128xi32, #tpu.memory_space<vmem>> -> memref<1x128xi32, #tpu.memory_space<vmem>>
      %dma_start3A_105 = tpu.memref_squeeze %dma_start3A_104 : memref<1x128xi32, #tpu.memory_space<vmem>> -> memref<128xi32, #tpu.memory_space<vmem>>
      %dma_start3A_106 = arith.constant 0 : i32
      %dma_start3A_107 = arith.constant 0 : i32
      %dma_start3A_108 = tpu.memref_slice %arg7[%dma_start3A_106, %dma_start3A_107] : memref<10000x64xi32, #tpu.memory_space<vmem_shared>> -> memref<10000x64xi32, #tpu.memory_space<vmem_shared>>
      tpu.enqueue_indirect_dma source(%dma_start3A_108 : memref<10000x64xi32, #tpu.memory_space<vmem_shared>>) target(%arg11 : memref<128x64xi32, #tpu.memory_space<vmem>>) offsets(%dma_start3A_105 : memref<128xi32, #tpu.memory_space<vmem>>) semaphore(%arg15 : memref<!tpu.dma_semaphore, #tpu.memory_space<semaphore_mem>>)
      %dma_start3A_109 = arith.constant 0 : i32
      %dma_start3A_110 = tpu.memref_slice %arg9[%add3A_83, %dma_start3A_109] : memref<88x128xi32, #tpu.memory_space<vmem>> -> memref<1x128xi32, #tpu.memory_space<vmem>>
      %dma_start3A_111 = tpu.memref_squeeze %dma_start3A_110 : memref<1x128xi32, #tpu.memory_space<vmem>> -> memref<128xi32, #tpu.memory_space<vmem>>
      %dma_start3A_112 = arith.constant 0 : i32
      %dma_start3A_113 = arith.constant 0 : i32
      %dma_start3A_114 = tpu.memref_slice %arg7[%dma_start3A_112, %dma_start3A_113] : memref<10000x64xi32, #tpu.memory_space<vmem_shared>> -> memref<10000x64xi32, #tpu.memory_space<vmem_shared>>
      tpu.enqueue_indirect_dma source(%dma_start3A_114 : memref<10000x64xi32, #tpu.memory_space<vmem_shared>>) target(%arg13 : memref<128x64xi32, #tpu.memory_space<vmem>>) offsets(%dma_start3A_111 : memref<128xi32, #tpu.memory_space<vmem>>) semaphore(%arg17 : memref<!tpu.dma_semaphore, #tpu.memory_space<semaphore_mem>>)
      %dma_wait3A_115 = arith.constant 0 : i32
      %dma_wait3A_116 = tpu.memref_slice %arg8[%add3A_81, %dma_wait3A_115] : memref<88x128xi32, #tpu.memory_space<vmem>> -> memref<1x128xi32, #tpu.memory_space<vmem>>
      %dma_wait3A_117 = tpu.memref_squeeze %dma_wait3A_116 : memref<1x128xi32, #tpu.memory_space<vmem>> -> memref<128xi32, #tpu.memory_space<vmem>>
      %dma_wait3A_118 = arith.constant 0 : i32
      %dma_wait3A_119 = arith.constant 0 : i32
      %dma_wait3A_120 = tpu.memref_slice %arg7[%dma_wait3A_118, %dma_wait3A_119] : memref<10000x64xi32, #tpu.memory_space<vmem_shared>> -> memref<10000x64xi32, #tpu.memory_space<vmem_shared>>
      tpu.wait_indirect_dma semaphore(%arg14 : memref<!tpu.dma_semaphore, #tpu.memory_space<semaphore_mem>>) src(%dma_wait3A_120 : memref<10000x64xi32, #tpu.memory_space<vmem_shared>>) dst(%arg10 : memref<128x64xi32, #tpu.memory_space<vmem>>)
      %dma_start3A_121 = arith.constant 0 : i32
      %dma_start3A_122 = tpu.memref_slice %arg5[%mul3A_86, %dma_start3A_121] : memref<320000x64xi32, #tpu.memory_space<hbm>> -> memref<128x64xi32, #tpu.memory_space<hbm>>
      %dma_start3A_123 = arith.constant 0 : i32
      %dma_start3A_124 = tpu.memref_slice %arg5[%mul3A_86, %dma_start3A_123] : memref<320000x64xi32, #tpu.memory_space<hbm>> -> memref<128x64xi32, #tpu.memory_space<hbm>>
      tpu.enqueue_dma source(%arg10 : memref<128x64xi32, #tpu.memory_space<vmem>>) target(%dma_start3A_124 : memref<128x64xi32, #tpu.memory_space<hbm>>) target_semaphore(%arg18 : memref<!tpu.dma_semaphore, #tpu.memory_space<semaphore_mem>>)
      %dma_wait3A_125 = arith.constant 0 : i32
      %dma_wait3A_126 = tpu.memref_slice %arg9[%add3A_81, %dma_wait3A_125] : memref<88x128xi32, #tpu.memory_space<vmem>> -> memref<1x128xi32, #tpu.memory_space<vmem>>
      %dma_wait3A_127 = tpu.memref_squeeze %dma_wait3A_126 : memref<1x128xi32, #tpu.memory_space<vmem>> -> memref<128xi32, #tpu.memory_space<vmem>>
      %dma_wait3A_128 = arith.constant 0 : i32
      %dma_wait3A_129 = arith.constant 0 : i32
      %dma_wait3A_130 = tpu.memref_slice %arg7[%dma_wait3A_128, %dma_wait3A_129] : memref<10000x64xi32, #tpu.memory_space<vmem_shared>> -> memref<10000x64xi32, #tpu.memory_space<vmem_shared>>
      tpu.wait_indirect_dma semaphore(%arg16 : memref<!tpu.dma_semaphore, #tpu.memory_space<semaphore_mem>>) src(%dma_wait3A_130 : memref<10000x64xi32, #tpu.memory_space<vmem_shared>>) dst(%arg12 : memref<128x64xi32, #tpu.memory_space<vmem>>)
      %dma_start3A_131 = arith.constant 0 : i32
      %dma_start3A_132 = tpu.memref_slice %arg6[%mul3A_86, %dma_start3A_131] : memref<320000x64xi32, #tpu.memory_space<hbm>> -> memref<128x64xi32, #tpu.memory_space<hbm>>
      %dma_start3A_133 = arith.constant 0 : i32
      %dma_start3A_134 = tpu.memref_slice %arg6[%mul3A_86, %dma_start3A_133] : memref<320000x64xi32, #tpu.memory_space<hbm>> -> memref<128x64xi32, #tpu.memory_space<hbm>>
      tpu.enqueue_dma source(%arg12 : memref<128x64xi32, #tpu.memory_space<vmem>>) target(%dma_start3A_134 : memref<128x64xi32, #tpu.memory_space<hbm>>) target_semaphore(%arg20 : memref<!tpu.dma_semaphore, #tpu.memory_space<semaphore_mem>>)
      %dma_wait3A_135 = arith.constant 0 : i32
      %dma_wait3A_136 = tpu.memref_slice %arg8[%add3A_83, %dma_wait3A_135] : memref<88x128xi32, #tpu.memory_space<vmem>> -> memref<1x128xi32, #tpu.memory_space<vmem>>
      %dma_wait3A_137 = tpu.memref_squeeze %dma_wait3A_136 : memref<1x128xi32, #tpu.memory_space<vmem>> -> memref<128xi32, #tpu.memory_space<vmem>>
      %dma_wait3A_138 = arith.constant 0 : i32
      %dma_wait3A_139 = arith.constant 0 : i32
      %dma_wait3A_140 = tpu.memref_slice %arg7[%dma_wait3A_138, %dma_wait3A_139] : memref<10000x64xi32, #tpu.memory_space<vmem_shared>> -> memref<10000x64xi32, #tpu.memory_space<vmem_shared>>
      tpu.wait_indirect_dma semaphore(%arg15 : memref<!tpu.dma_semaphore, #tpu.memory_space<semaphore_mem>>) src(%dma_wait3A_140 : memref<10000x64xi32, #tpu.memory_space<vmem_shared>>) dst(%arg11 : memref<128x64xi32, #tpu.memory_space<vmem>>)
      %dma_start3A_141 = arith.constant 0 : i32
      %dma_start3A_142 = tpu.memref_slice %arg5[%mul3A_89, %dma_start3A_141] : memref<320000x64xi32, #tpu.memory_space<hbm>> -> memref<128x64xi32, #tpu.memory_space<hbm>>
      %dma_start3A_143 = arith.constant 0 : i32
      %dma_start3A_144 = tpu.memref_slice %arg5[%mul3A_89, %dma_start3A_143] : memref<320000x64xi32, #tpu.memory_space<hbm>> -> memref<128x64xi32, #tpu.memory_space<hbm>>
      tpu.enqueue_dma source(%arg11 : memref<128x64xi32, #tpu.memory_space<vmem>>) target(%dma_start3A_144 : memref<128x64xi32, #tpu.memory_space<hbm>>) target_semaphore(%arg19 : memref<!tpu.dma_semaphore, #tpu.memory_space<semaphore_mem>>)
      %dma_wait3A_145 = arith.constant 0 : i32
      %dma_wait3A_146 = tpu.memref_slice %arg9[%add3A_83, %dma_wait3A_145] : memref<88x128xi32, #tpu.memory_space<vmem>> -> memref<1x128xi32, #tpu.memory_space<vmem>>
      %dma_wait3A_147 = tpu.memref_squeeze %dma_wait3A_146 : memref<1x128xi32, #tpu.memory_space<vmem>> -> memref<128xi32, #tpu.memory_space<vmem>>
      %dma_wait3A_148 = arith.constant 0 : i32
      %dma_wait3A_149 = arith.constant 0 : i32
      %dma_wait3A_150 = tpu.memref_slice %arg7[%dma_wait3A_148, %dma_wait3A_149] : memref<10000x64xi32, #tpu.memory_space<vmem_shared>> -> memref<10000x64xi32, #tpu.memory_space<vmem_shared>>
      tpu.wait_indirect_dma semaphore(%arg17 : memref<!tpu.dma_semaphore, #tpu.memory_space<semaphore_mem>>) src(%dma_wait3A_150 : memref<10000x64xi32, #tpu.memory_space<vmem_shared>>) dst(%arg13 : memref<128x64xi32, #tpu.memory_space<vmem>>)
      %dma_start3A_151 = arith.constant 0 : i32
      %dma_start3A_152 = tpu.memref_slice %arg6[%mul3A_89, %dma_start3A_151] : memref<320000x64xi32, #tpu.memory_space<hbm>> -> memref<128x64xi32, #tpu.memory_space<hbm>>
      %dma_start3A_153 = arith.constant 0 : i32
      %dma_start3A_154 = tpu.memref_slice %arg6[%mul3A_89, %dma_start3A_153] : memref<320000x64xi32, #tpu.memory_space<hbm>> -> memref<128x64xi32, #tpu.memory_space<hbm>>
      tpu.enqueue_dma source(%arg13 : memref<128x64xi32, #tpu.memory_space<vmem>>) target(%dma_start3A_154 : memref<128x64xi32, #tpu.memory_space<hbm>>) target_semaphore(%arg21 : memref<!tpu.dma_semaphore, #tpu.memory_space<semaphore_mem>>)
    }
    %scan3A_52 = arith.constant 40 : i32
    %add3A_53 = arith.constant 80 : i32
    %add3A_54 = arith.addi %select_n3A, %add3A_53 : i32
    %sub3A_55 = arith.constant 2 : i32
    %sub3A_56 = arith.subi %add3A_54, %sub3A_55 : i32
    %mul3A_57 = arith.constant 128 : i32
    %mul3A_58 = arith.muli %sub3A_56, %mul3A_57 : i32
    %dma_wait3A = arith.constant 0 : i32
    %dma_wait3A_59 = tpu.memref_slice %arg5[%mul3A_58, %dma_wait3A] : memref<320000x64xi32, #tpu.memory_space<hbm>> -> memref<128x64xi32, #tpu.memory_space<hbm>>
    %dma_wait3A_60 = arith.constant 0 : i32
    %dma_wait3A_61 = tpu.memref_slice %arg5[%mul3A_58, %dma_wait3A_60] : memref<320000x64xi32, #tpu.memory_space<hbm>> -> memref<128x64xi32, #tpu.memory_space<hbm>>
    tpu.wait_dma2 semaphore(%arg18 : memref<!tpu.dma_semaphore, #tpu.memory_space<semaphore_mem>>) src(%arg10 : memref<128x64xi32, #tpu.memory_space<vmem>>) dst(%dma_wait3A_61 : memref<128x64xi32, #tpu.memory_space<hbm>>)
    %dma_wait3A_62 = arith.constant 0 : i32
    %dma_wait3A_63 = tpu.memref_slice %arg6[%mul3A_58, %dma_wait3A_62] : memref<320000x64xi32, #tpu.memory_space<hbm>> -> memref<128x64xi32, #tpu.memory_space<hbm>>
    %dma_wait3A_64 = arith.constant 0 : i32
    %dma_wait3A_65 = tpu.memref_slice %arg6[%mul3A_58, %dma_wait3A_64] : memref<320000x64xi32, #tpu.memory_space<hbm>> -> memref<128x64xi32, #tpu.memory_space<hbm>>
    tpu.wait_dma2 semaphore(%arg20 : memref<!tpu.dma_semaphore, #tpu.memory_space<semaphore_mem>>) src(%arg12 : memref<128x64xi32, #tpu.memory_space<vmem>>) dst(%dma_wait3A_65 : memref<128x64xi32, #tpu.memory_space<hbm>>)
    %add3A_66 = arith.constant 128 : i32
    %add3A_67 = arith.addi %mul3A_58, %add3A_66 : i32
    %dma_wait3A_68 = arith.constant 0 : i32
    %dma_wait3A_69 = tpu.memref_slice %arg5[%add3A_67, %dma_wait3A_68] : memref<320000x64xi32, #tpu.memory_space<hbm>> -> memref<128x64xi32, #tpu.memory_space<hbm>>
    %dma_wait3A_70 = arith.constant 0 : i32
    %dma_wait3A_71 = tpu.memref_slice %arg5[%add3A_67, %dma_wait3A_70] : memref<320000x64xi32, #tpu.memory_space<hbm>> -> memref<128x64xi32, #tpu.memory_space<hbm>>
    tpu.wait_dma2 semaphore(%arg19 : memref<!tpu.dma_semaphore, #tpu.memory_space<semaphore_mem>>) src(%arg11 : memref<128x64xi32, #tpu.memory_space<vmem>>) dst(%dma_wait3A_71 : memref<128x64xi32, #tpu.memory_space<hbm>>)
    %add3A_72 = arith.constant 128 : i32
    %add3A_73 = arith.addi %mul3A_58, %add3A_72 : i32
    %dma_wait3A_74 = arith.constant 0 : i32
    %dma_wait3A_75 = tpu.memref_slice %arg6[%add3A_73, %dma_wait3A_74] : memref<320000x64xi32, #tpu.memory_space<hbm>> -> memref<128x64xi32, #tpu.memory_space<hbm>>
    %dma_wait3A_76 = arith.constant 0 : i32
    %dma_wait3A_77 = tpu.memref_slice %arg6[%add3A_73, %dma_wait3A_76] : memref<320000x64xi32, #tpu.memory_space<hbm>> -> memref<128x64xi32, #tpu.memory_space<hbm>>
    tpu.wait_dma2 semaphore(%arg21 : memref<!tpu.dma_semaphore, #tpu.memory_space<semaphore_mem>>) src(%arg13 : memref<128x64xi32, #tpu.memory_space<vmem>>) dst(%dma_wait3A_77 : memref<128x64xi32, #tpu.memory_space<hbm>>)
    return
  }
}

module attributes {stable_mosaic.version = 14 : i64} {
  func.func @_prep_body(%arg0: i32, %arg1: memref<2000x128xf32, #tpu.memory_space<vmem>>, %arg2: memref<128x64xf32, #tpu.memory_space<vmem>>, %arg3: memref<1x64xf32, #tpu.memory_space<vmem>>, %arg4: memref<64x64xf32, #tpu.memory_space<vmem>>, %arg5: memref<1x64xf32, #tpu.memory_space<vmem>>, %arg6: memref<128x128xf32, #tpu.memory_space<vmem>>, %arg7: memref<2000x64xi32, #tpu.memory_space<vmem>>, %arg8: memref<1x64xf32, #tpu.memory_space<vmem>>) attributes {dimension_semantics = [#tpu.dimension_semantics<arbitrary>], iteration_bounds = array<i64: 5>, scalar_prefetch = 0 : i64, scratch_operands = 0 : i64, tpu.core_type = #tpu.core_type<tc>, window_params = [{transform_indices = @transform_0, window_bounds = array<i64: 2000, 128>}, {pipeline_mode = #tpu.pipeline_mode<synchronous>, transform_indices = @transform_1, window_bounds = array<i64: 128, 64>}, {pipeline_mode = #tpu.pipeline_mode<synchronous>, transform_indices = @transform_2, window_bounds = array<i64: 1, 64>}, {pipeline_mode = #tpu.pipeline_mode<synchronous>, transform_indices = @transform_3, window_bounds = array<i64: 64, 64>}, {pipeline_mode = #tpu.pipeline_mode<synchronous>, transform_indices = @transform_4, window_bounds = array<i64: 1, 64>}, {pipeline_mode = #tpu.pipeline_mode<synchronous>, transform_indices = @transform_5, window_bounds = array<i64: 128, 128>}, {transform_indices = @transform_6, window_bounds = array<i64: 2000, 64>}, {pipeline_mode = #tpu.pipeline_mode<synchronous>, transform_indices = @transform_7, window_bounds = array<i64: 1, 64>}]} {
    %get3A = arith.constant 0 : index
    %get3A_0 = arith.constant 0 : index
    %get3A_1 = vector.load %arg1[%get3A, %get3A_0] : memref<2000x128xf32, #tpu.memory_space<vmem>>, vector<2000x128xf32>
    %get3A_2 = arith.constant 0 : index
    %get3A_3 = arith.constant 0 : index
    %get3A_4 = vector.load %arg6[%get3A_2, %get3A_3] : memref<128x128xf32, #tpu.memory_space<vmem>>, vector<128x128xf32>
    %dot_general3A = arith.constant dense<0.000000e+00> : vector<2000x128xf32>
    %dot_general3A_5 = tpu.matmul %get3A_1, %get3A_4, %dot_general3A {dimension_numbers = #tpu.dot_dimension_numbers<[1], [0], [0], [1], [0, 0, 1, 1], [], []>, transpose_lhs_hint = false} : vector<2000x128xf32>, vector<128x128xf32>, vector<2000x128xf32> -> vector<2000x128xf32>
    %bitcast_convert_type3A = tpu.bitcast %dot_general3A_5 : vector<2000x128xf32> -> vector<2000x128xi32>
    %add3A = arith.constant 32767 : i32
    %add3A_6 = vector.broadcast %add3A : i32 to vector<2000x128xi32>
    %add3A_7 = arith.addi %bitcast_convert_type3A, %add3A_6 : vector<2000x128xi32>
    %shift_right_logical3A = arith.constant 16 : i32
    %shift_right_logical3A_8 = vector.broadcast %shift_right_logical3A : i32 to vector<2000x128xi32>
    %shift_right_logical3A_9 = arith.shrui %bitcast_convert_type3A, %shift_right_logical3A_8 : vector<2000x128xi32>
    %and3A = arith.constant 1 : i32
    %and3A_10 = vector.broadcast %and3A : i32 to vector<2000x128xi32>
    %and3A_11 = arith.andi %shift_right_logical3A_9, %and3A_10 : vector<2000x128xi32>
    %add3A_12 = arith.addi %add3A_7, %and3A_11 : vector<2000x128xi32>
    %shift_right_logical3A_13 = arith.constant 16 : i32
    %shift_right_logical3A_14 = vector.broadcast %shift_right_logical3A_13 : i32 to vector<2000x128xi32>
    %shift_right_logical3A_15 = arith.shrui %add3A_12, %shift_right_logical3A_14 : vector<2000x128xi32>
    %slice3A = vector.extract_strided_slice %shift_right_logical3A_15 {offsets = [0, 0], sizes = [2000, 64], strides = [1, 1]} : vector<2000x128xi32> to vector<2000x64xi32>
    %slice3A_16 = vector.extract_strided_slice %shift_right_logical3A_15 {offsets = [0, 64], sizes = [2000, 64], strides = [1, 1]} : vector<2000x128xi32> to vector<2000x64xi32>
    %shift_left3A = arith.constant 16 : i32
    %shift_left3A_17 = vector.broadcast %shift_left3A : i32 to vector<2000x64xi32>
    %shift_left3A_18 = arith.shli %slice3A_16, %shift_left3A_17 : vector<2000x64xi32>
    %or3A = arith.ori %slice3A, %shift_left3A_18 : vector<2000x64xi32>
    %bitcast_convert_type3A_19 = tpu.bitcast %or3A : vector<2000x64xi32> -> vector<2000x64xi32>
    %swap3A = arith.constant 0 : index
    %swap3A_20 = arith.constant 0 : index
    %swap3A_21 = vector.load %arg7[%swap3A, %swap3A_20] : memref<2000x64xi32, #tpu.memory_space<vmem>>, vector<2000x64xi32>
    tpu.vector_store %arg7[%swap3A, %swap3A_20], %bitcast_convert_type3A_19 {strides = array<i32>} : memref<2000x64xi32, #tpu.memory_space<vmem>>, vector<2000x64xi32>,
    %get3A_22 = arith.constant 0 : index
    %get3A_23 = arith.constant 0 : index
    %get3A_24 = vector.load %arg2[%get3A_22, %get3A_23] : memref<128x64xf32, #tpu.memory_space<vmem>>, vector<128x64xf32>
    %dot_general3A_25 = arith.constant dense<0.000000e+00> : vector<2000x64xf32>
    %dot_general3A_26 = tpu.matmul %get3A_1, %get3A_24, %dot_general3A_25 {dimension_numbers = #tpu.dot_dimension_numbers<[1], [0], [0], [1], [0, 0, 1, 1], [], []>, transpose_lhs_hint = false} : vector<2000x128xf32>, vector<128x64xf32>, vector<2000x64xf32> -> vector<2000x64xf32>
    %get3A_27 = arith.constant 0 : index
    %get3A_28 = arith.constant 0 : index
    %get3A_29 = vector.load %arg3[%get3A_27, %get3A_28] : memref<1x64xf32, #tpu.memory_space<vmem>>, vector<1x64xf32>
    %add3A_30 = vector.broadcast %get3A_29 : vector<1x64xf32> to vector<2000x64xf32>
    %add3A_31 = arith.addf %dot_general3A_26, %add3A_30 : vector<2000x64xf32>
    %max3A = arith.constant 0.000000e+00 : f32
    %max3A_32 = vector.broadcast %max3A : f32 to vector<2000x64xf32>
    %max3A_33 = arith.maximumf %add3A_31, %max3A_32 : vector<2000x64xf32>
    %get3A_34 = arith.constant 0 : index
    %get3A_35 = arith.constant 0 : index
    %get3A_36 = vector.load %arg4[%get3A_34, %get3A_35] : memref<64x64xf32, #tpu.memory_space<vmem>>, vector<64x64xf32>
    %dot_general3A_37 = arith.constant dense<0.000000e+00> : vector<2000x64xf32>
    %dot_general3A_38 = tpu.matmul %max3A_33, %get3A_36, %dot_general3A_37 {dimension_numbers = #tpu.dot_dimension_numbers<[1], [0], [0], [1], [0, 0, 1, 1], [], []>, transpose_lhs_hint = false} : vector<2000x64xf32>, vector<64x64xf32>, vector<2000x64xf32> -> vector<2000x64xf32>
    %get3A_39 = arith.constant 0 : index
    %get3A_40 = arith.constant 0 : index
    %get3A_41 = vector.load %arg5[%get3A_39, %get3A_40] : memref<1x64xf32, #tpu.memory_space<vmem>>, vector<1x64xf32>
    %add3A_42 = vector.broadcast %get3A_41 : vector<1x64xf32> to vector<2000x64xf32>
    %add3A_43 = arith.addf %dot_general3A_38, %add3A_42 : vector<2000x64xf32>
    %max3A_44 = arith.constant 0.000000e+00 : f32
    %max3A_45 = vector.broadcast %max3A_44 : f32 to vector<2000x64xf32>
    %max3A_46 = arith.maximumf %add3A_43, %max3A_45 : vector<2000x64xf32>
    %eq3A = arith.constant 0 : i32
    %eq3A_47 = arith.cmpi eq, %arg0, %eq3A : i32
    %convert_element_type3A = arith.extui %eq3A_47 : i1 to i32
    %cond3A = arith.constant 0 : i32
    %cond3A_48 = arith.cmpi ne, %convert_element_type3A, %cond3A : i32
    scf.if %cond3A_48 {
      %broadcast_in_dim3A_57 = arith.constant 0.000000e+00 : f32
      %broadcast_in_dim3A_58 = vector.broadcast %broadcast_in_dim3A_57 : f32 to vector<1x64xf32>
      %swap3A_59 = arith.constant 0 : index
      %swap3A_60 = arith.constant 0 : index
      %swap3A_61 = vector.load %arg8[%swap3A_59, %swap3A_60] : memref<1x64xf32, #tpu.memory_space<vmem>>, vector<1x64xf32>
      tpu.vector_store %arg8[%swap3A_59, %swap3A_60], %broadcast_in_dim3A_58 {strides = array<i32>} : memref<1x64xf32, #tpu.memory_space<vmem>>, vector<1x64xf32>,
    } else {
    }
    %get3A_49 = arith.constant 0 : index
    %get3A_50 = arith.constant 0 : index
    %get3A_51 = vector.load %arg8[%get3A_49, %get3A_50] : memref<1x64xf32, #tpu.memory_space<vmem>>, vector<1x64xf32>
    %reduce_sum3A = arith.constant dense<0.000000e+00> : vector<64xf32>
    %reduce_sum3A_52 = vector.multi_reduction <add>, %max3A_46, %reduce_sum3A [0] : vector<2000x64xf32> to vector<64xf32>
    %broadcast_in_dim3A = vector.shape_cast %reduce_sum3A_52 : vector<64xf32> to vector<1x64xf32>
    %add3A_53 = arith.addf %get3A_51, %broadcast_in_dim3A : vector<1x64xf32>
    %swap3A_54 = arith.constant 0 : index
    %swap3A_55 = arith.constant 0 : index
    %swap3A_56 = vector.load %arg8[%swap3A_54, %swap3A_55] : memref<1x64xf32, #tpu.memory_space<vmem>>, vector<1x64xf32>
    tpu.vector_store %arg8[%swap3A_54, %swap3A_55], %add3A_53 {strides = array<i32>} : memref<1x64xf32, #tpu.memory_space<vmem>>, vector<1x64xf32>,
    return
  }
  func.func @transform_0(%arg0: i32) -> (i32, i32) {
    %c0_i32 = arith.constant 0 : i32
    %c0_i32_0 = arith.constant 0 : i32
    return %arg0, %c0_i32 : i32, i32
  }
  func.func @transform_1(%arg0: i32) -> (i32, i32) {
    %c0_i32 = arith.constant 0 : i32
    %c0_i32_0 = arith.constant 0 : i32
    %c0_i32_1 = arith.constant 0 : i32
    return %c0_i32, %c0_i32_0 : i32, i32
  }
  func.func @transform_2(%arg0: i32) -> (i32, i32) {
    %c0_i32 = arith.constant 0 : i32
    %c0_i32_0 = arith.constant 0 : i32
    %c0_i32_1 = arith.constant 0 : i32
    return %c0_i32, %c0_i32_0 : i32, i32
  }
  func.func @transform_3(%arg0: i32) -> (i32, i32) {
    %c0_i32 = arith.constant 0 : i32
    %c0_i32_0 = arith.constant 0 : i32
    %c0_i32_1 = arith.constant 0 : i32
    return %c0_i32, %c0_i32_0 : i32, i32
  }
  func.func @transform_4(%arg0: i32) -> (i32, i32) {
    %c0_i32 = arith.constant 0 : i32
    %c0_i32_0 = arith.constant 0 : i32
    %c0_i32_1 = arith.constant 0 : i32
    return %c0_i32, %c0_i32_0 : i32, i32
  }
  func.func @transform_5(%arg0: i32) -> (i32, i32) {
    %c0_i32 = arith.constant 0 : i32
    %c0_i32_0 = arith.constant 0 : i32
    %c0_i32_1 = arith.constant 0 : i32
    return %c0_i32, %c0_i32_0 : i32, i32
  }
  func.func @transform_6(%arg0: i32) -> (i32, i32) {
    %c0_i32 = arith.constant 0 : i32
    %c0_i32_0 = arith.constant 0 : i32
    return %arg0, %c0_i32 : i32, i32
  }
  func.func @transform_7(%arg0: i32) -> (i32, i32) {
    %c0_i32 = arith.constant 0 : i32
    %c0_i32_0 = arith.constant 0 : i32
    %c0_i32_1 = arith.constant 0 : i32
    return %c0_i32, %c0_i32_0 : i32, i32
  }
}

module attributes {stable_mosaic.version = 14 : i64} {
  func.func @_edge_body(%arg0: i32, %arg1: memref<1x1xf32, #tpu.memory_space<vmem>>, %arg2: memref<1x1xf32, #tpu.memory_space<vmem>>, %arg3: memref<2000x64xi32, #tpu.memory_space<vmem>>, %arg4: memref<2000x64xi32, #tpu.memory_space<vmem>>, %arg5: memref<2000x4xf32, #tpu.memory_space<vmem>>, %arg6: memref<4x64xf32, #tpu.memory_space<vmem>>, %arg7: memref<1x64xf32, #tpu.memory_space<vmem>>, %arg8: memref<64x64xf32, #tpu.memory_space<vmem>>, %arg9: memref<1x64xf32, #tpu.memory_space<vmem>>, %arg10: memref<4x64xf32, #tpu.memory_space<vmem>>, %arg11: memref<1x64xf32, #tpu.memory_space<vmem>>, %arg12: memref<1x64xf32, #tpu.memory_space<vmem>>, %arg13: memref<128x64xf32, #tpu.memory_space<vmem>>, %arg14: memref<1x64xf32, #tpu.memory_space<vmem>>, %arg15: memref<64x128xf32, #tpu.memory_space<vmem>>, %arg16: memref<1x128xf32, #tpu.memory_space<vmem>>, %arg17: memref<1x64xf32, #tpu.memory_space<vmem>>, %arg18: memref<1x64xf32, #tpu.memory_space<vmem>>, %arg19: memref<1x128xf32, #tpu.memory_space<vmem>>) attributes {dimension_semantics = [#tpu.dimension_semantics<arbitrary>], iteration_bounds = array<i64: 160>, scalar_prefetch = 0 : i64, scratch_operands = 0 : i64, tpu.core_type = #tpu.core_type<tc>, window_params = [{pipeline_mode = #tpu.pipeline_mode<synchronous>, transform_indices = @transform_0, window_bounds = array<i64: 1, 1>}, {pipeline_mode = #tpu.pipeline_mode<synchronous>, transform_indices = @transform_1, window_bounds = array<i64: 1, 1>}, {transform_indices = @transform_2, window_bounds = array<i64: 2000, 64>}, {transform_indices = @transform_3, window_bounds = array<i64: 2000, 64>}, {transform_indices = @transform_4, window_bounds = array<i64: 2000, 4>}, {pipeline_mode = #tpu.pipeline_mode<synchronous>, transform_indices = @transform_5, window_bounds = array<i64: 4, 64>}, {pipeline_mode = #tpu.pipeline_mode<synchronous>, transform_indices = @transform_6, window_bounds = array<i64: 1, 64>}, {pipeline_mode = #tpu.pipeline_mode<synchronous>, transform_indices = @transform_7, window_bounds = array<i64: 64, 64>}, {pipeline_mode = #tpu.pipeline_mode<synchronous>, transform_indices = @transform_8, window_bounds = array<i64: 1, 64>}, {pipeline_mode = #tpu.pipeline_mode<synchronous>, transform_indices = @transform_9, window_bounds = array<i64: 4, 64>}, {pipeline_mode = #tpu.pipeline_mode<synchronous>, transform_indices = @transform_10, window_bounds = array<i64: 1, 64>}, {pipeline_mode = #tpu.pipeline_mode<synchronous>, transform_indices = @transform_11, window_bounds = array<i64: 1, 64>}, {pipeline_mode = #tpu.pipeline_mode<synchronous>, transform_indices = @transform_12, window_bounds = array<i64: 128, 64>}, {pipeline_mode = #tpu.pipeline_mode<synchronous>, transform_indices = @transform_13, window_bounds = array<i64: 1, 64>}, {pipeline_mode = #tpu.pipeline_mode<synchronous>, transform_indices = @transform_14, window_bounds = array<i64: 64, 128>}, {pipeline_mode = #tpu.pipeline_mode<synchronous>, transform_indices = @transform_15, window_bounds = array<i64: 1, 128>}, {pipeline_mode = #tpu.pipeline_mode<synchronous>, transform_indices = @transform_16, window_bounds = array<i64: 1, 64>}, {pipeline_mode = #tpu.pipeline_mode<synchronous>, transform_indices = @transform_17, window_bounds = array<i64: 1, 64>}, {pipeline_mode = #tpu.pipeline_mode<synchronous>, transform_indices = @transform_18, window_bounds = array<i64: 1, 128>}]} {
    %eq3A = arith.constant 0 : i32
    %eq3A_0 = arith.cmpi eq, %arg0, %eq3A : i32
    %convert_element_type3A = arith.extui %eq3A_0 : i1 to i32
    %cond3A = arith.constant 0 : i32
    %cond3A_1 = arith.cmpi ne, %convert_element_type3A, %cond3A : i32
    scf.if %cond3A_1 {
      %broadcast_in_dim3A_98 = arith.constant 0.000000e+00 : f32
      %broadcast_in_dim3A_99 = vector.broadcast %broadcast_in_dim3A_98 : f32 to vector<1x64xf32>
      %swap3A_100 = arith.constant 0 : index
      %swap3A_101 = arith.constant 0 : index
      %swap3A_102 = vector.load %arg17[%swap3A_100, %swap3A_101] : memref<1x64xf32, #tpu.memory_space<vmem>>, vector<1x64xf32>
      tpu.vector_store %arg17[%swap3A_100, %swap3A_101], %broadcast_in_dim3A_99 {strides = array<i32>} : memref<1x64xf32, #tpu.memory_space<vmem>>, vector<1x64xf32>,
      %broadcast_in_dim3A_103 = arith.constant 0.000000e+00 : f32
      %broadcast_in_dim3A_104 = vector.broadcast %broadcast_in_dim3A_103 : f32 to vector<1x64xf32>
      %swap3A_105 = arith.constant 0 : index
      %swap3A_106 = arith.constant 0 : index
      %swap3A_107 = vector.load %arg18[%swap3A_105, %swap3A_106] : memref<1x64xf32, #tpu.memory_space<vmem>>, vector<1x64xf32>
      tpu.vector_store %arg18[%swap3A_105, %swap3A_106], %broadcast_in_dim3A_104 {strides = array<i32>} : memref<1x64xf32, #tpu.memory_space<vmem>>, vector<1x64xf32>,
    } else {
    }
    %get3A = arith.constant 0 : index
    %get3A_2 = arith.constant 0 : index
    %get3A_3 = vector.load %arg5[%get3A, %get3A_2] : memref<2000x4xf32, #tpu.memory_space<vmem>>, vector<2000x4xf32>
    %slice3A = vector.extract_strided_slice %get3A_3 {offsets = [0, 2], sizes = [2000, 1], strides = [1, 1]} : vector<2000x4xf32> to vector<2000x1xf32>
    %get3A_4 = arith.constant 0 : index
    %get3A_5 = arith.constant 0 : index
    %get3A_6 = vector.load %arg2[%get3A_4, %get3A_5] : memref<1x1xf32, #tpu.memory_space<vmem>>, vector<1x1xf32>
    %sub3A = vector.broadcast %get3A_6 : vector<1x1xf32> to vector<2000x1xf32>
    %sub3A_7 = arith.subf %slice3A, %sub3A : vector<2000x1xf32>
    %get3A_8 = arith.constant 0 : index
    %get3A_9 = arith.constant 0 : index
    %get3A_10 = vector.load %arg1[%get3A_8, %get3A_9] : memref<1x1xf32, #tpu.memory_space<vmem>>, vector<1x1xf32>
    %mul3A = vector.broadcast %get3A_10 : vector<1x1xf32> to vector<2000x1xf32>
    %mul3A_11 = arith.mulf %sub3A_7, %mul3A : vector<2000x1xf32>
    %max3A = arith.constant 0.000000e+00 : f32
    %max3A_12 = vector.broadcast %max3A : f32 to vector<2000x1xf32>
    %max3A_13 = arith.maximumf %mul3A_11, %max3A_12 : vector<2000x1xf32>
    %abs3A = math.absf %mul3A_11 : vector<2000x1xf32>
    %neg3A = arith.constant 0.000000e+00 : f32
    %neg3A_14 = vector.broadcast %neg3A : f32 to vector<2000x1xf32>
    %neg3A_15 = arith.subf %neg3A_14, %abs3A : vector<2000x1xf32>
    %exp3A = math.exp %neg3A_15 : vector<2000x1xf32>
    %add3A = arith.constant 1.000000e+00 : f32
    %add3A_16 = vector.broadcast %add3A : f32 to vector<2000x1xf32>
    %add3A_17 = arith.addf %add3A_16, %exp3A : vector<2000x1xf32>
    %log3A = math.log %add3A_17 : vector<2000x1xf32>
    %add3A_18 = arith.addf %max3A_13, %log3A : vector<2000x1xf32>
    %add3A_19 = arith.constant 1.000000e-03 : f32
    %add3A_20 = vector.broadcast %add3A_19 : f32 to vector<2000x1xf32>
    %add3A_21 = arith.addf %add3A_18, %add3A_20 : vector<2000x1xf32>
    %get3A_22 = arith.constant 0 : index
    %get3A_23 = arith.constant 0 : index
    %get3A_24 = vector.load %arg6[%get3A_22, %get3A_23] : memref<4x64xf32, #tpu.memory_space<vmem>>, vector<4x64xf32>
    %dot_general3A = arith.constant dense<0.000000e+00> : vector<2000x64xf32>
    %dot_general3A_25 = tpu.matmul %get3A_3, %get3A_24, %dot_general3A {dimension_numbers = #tpu.dot_dimension_numbers<[1], [0], [0], [1], [0, 0, 1, 1], [], []>, transpose_lhs_hint = false} : vector<2000x4xf32>, vector<4x64xf32>, vector<2000x64xf32> -> vector<2000x64xf32>
    %get3A_26 = arith.constant 0 : index
    %get3A_27 = arith.constant 0 : index
    %get3A_28 = vector.load %arg3[%get3A_26, %get3A_27] : memref<2000x64xi32, #tpu.memory_space<vmem>>, vector<2000x64xi32>
    %bitcast_convert_type3A = tpu.bitcast %get3A_28 : vector<2000x64xi32> -> vector<2000x64xi32>
    %get3A_29 = arith.constant 0 : index
    %get3A_30 = arith.constant 0 : index
    %get3A_31 = vector.load %arg4[%get3A_29, %get3A_30] : memref<2000x64xi32, #tpu.memory_space<vmem>>, vector<2000x64xi32>
    %bitcast_convert_type3A_32 = tpu.bitcast %get3A_31 : vector<2000x64xi32> -> vector<2000x64xi32>
    %shift_left3A = arith.constant 16 : i32
    %shift_left3A_33 = vector.broadcast %shift_left3A : i32 to vector<2000x64xi32>
    %shift_left3A_34 = arith.shli %bitcast_convert_type3A, %shift_left3A_33 : vector<2000x64xi32>
    %bitcast_convert_type3A_35 = tpu.bitcast %shift_left3A_34 : vector<2000x64xi32> -> vector<2000x64xf32>
    %and3A = arith.constant -65536 : i32
    %and3A_36 = vector.broadcast %and3A : i32 to vector<2000x64xi32>
    %and3A_37 = arith.andi %bitcast_convert_type3A_32, %and3A_36 : vector<2000x64xi32>
    %bitcast_convert_type3A_38 = tpu.bitcast %and3A_37 : vector<2000x64xi32> -> vector<2000x64xf32>
    %add3A_39 = arith.addf %bitcast_convert_type3A_35, %bitcast_convert_type3A_38 : vector<2000x64xf32>
    %add3A_40 = arith.addf %add3A_39, %dot_general3A_25 : vector<2000x64xf32>
    %get3A_41 = arith.constant 0 : index
    %get3A_42 = arith.constant 0 : index
    %get3A_43 = vector.load %arg7[%get3A_41, %get3A_42] : memref<1x64xf32, #tpu.memory_space<vmem>>, vector<1x64xf32>
    %add3A_44 = vector.broadcast %get3A_43 : vector<1x64xf32> to vector<2000x64xf32>
    %add3A_45 = arith.addf %add3A_40, %add3A_44 : vector<2000x64xf32>
    %max3A_46 = arith.constant 0.000000e+00 : f32
    %max3A_47 = vector.broadcast %max3A_46 : f32 to vector<2000x64xf32>
    %max3A_48 = arith.maximumf %add3A_45, %max3A_47 : vector<2000x64xf32>
    %get3A_49 = arith.constant 0 : index
    %get3A_50 = arith.constant 0 : index
    %get3A_51 = vector.load %arg8[%get3A_49, %get3A_50] : memref<64x64xf32, #tpu.memory_space<vmem>>, vector<64x64xf32>
    %dot_general3A_52 = arith.constant dense<0.000000e+00> : vector<2000x64xf32>
    %dot_general3A_53 = tpu.matmul %max3A_48, %get3A_51, %dot_general3A_52 {dimension_numbers = #tpu.dot_dimension_numbers<[1], [0], [0], [1], [0, 0, 1, 1], [], []>, transpose_lhs_hint = false} : vector<2000x64xf32>, vector<64x64xf32>, vector<2000x64xf32> -> vector<2000x64xf32>
    %get3A_54 = arith.constant 0 : index
    %get3A_55 = arith.constant 0 : index
    %get3A_56 = vector.load %arg9[%get3A_54, %get3A_55] : memref<1x64xf32, #tpu.memory_space<vmem>>, vector<1x64xf32>
    %add3A_57 = vector.broadcast %get3A_56 : vector<1x64xf32> to vector<2000x64xf32>
    %add3A_58 = arith.addf %dot_general3A_53, %add3A_57 : vector<2000x64xf32>
    %max3A_59 = arith.constant 0.000000e+00 : f32
    %max3A_60 = vector.broadcast %max3A_59 : f32 to vector<2000x64xf32>
    %max3A_61 = arith.maximumf %add3A_58, %max3A_60 : vector<2000x64xf32>
    %get3A_62 = arith.constant 0 : index
    %get3A_63 = arith.constant 0 : index
    %get3A_64 = vector.load %arg17[%get3A_62, %get3A_63] : memref<1x64xf32, #tpu.memory_space<vmem>>, vector<1x64xf32>
    %mul3A_65 = vector.broadcast %add3A_21 : vector<2000x1xf32> to vector<2000x64xf32>
    %mul3A_66 = arith.mulf %mul3A_65, %max3A_61 : vector<2000x64xf32>
    %reduce_sum3A = arith.constant dense<0.000000e+00> : vector<64xf32>
    %reduce_sum3A_67 = vector.multi_reduction <add>, %mul3A_66, %reduce_sum3A [0] : vector<2000x64xf32> to vector<64xf32>
    %broadcast_in_dim3A = vector.shape_cast %reduce_sum3A_67 : vector<64xf32> to vector<1x64xf32>
    %add3A_68 = arith.addf %get3A_64, %broadcast_in_dim3A : vector<1x64xf32>
    %swap3A = arith.constant 0 : index
    %swap3A_69 = arith.constant 0 : index
    %swap3A_70 = vector.load %arg17[%swap3A, %swap3A_69] : memref<1x64xf32, #tpu.memory_space<vmem>>, vector<1x64xf32>
    tpu.vector_store %arg17[%swap3A, %swap3A_69], %add3A_68 {strides = array<i32>} : memref<1x64xf32, #tpu.memory_space<vmem>>, vector<1x64xf32>,
    %get3A_71 = arith.constant 0 : index
    %get3A_72 = arith.constant 0 : index
    %get3A_73 = vector.load %arg10[%get3A_71, %get3A_72] : memref<4x64xf32, #tpu.memory_space<vmem>>, vector<4x64xf32>
    %dot_general3A_74 = arith.constant dense<0.000000e+00> : vector<2000x64xf32>
    %dot_general3A_75 = tpu.matmul %get3A_3, %get3A_73, %dot_general3A_74 {dimension_numbers = #tpu.dot_dimension_numbers<[1], [0], [0], [1], [0, 0, 1, 1], [], []>, transpose_lhs_hint = false} : vector<2000x4xf32>, vector<4x64xf32>, vector<2000x64xf32> -> vector<2000x64xf32>
    %get3A_76 = arith.constant 0 : index
    %get3A_77 = arith.constant 0 : index
    %get3A_78 = vector.load %arg11[%get3A_76, %get3A_77] : memref<1x64xf32, #tpu.memory_space<vmem>>, vector<1x64xf32>
    %add3A_79 = vector.broadcast %get3A_78 : vector<1x64xf32> to vector<2000x64xf32>
    %add3A_80 = arith.addf %dot_general3A_75, %add3A_79 : vector<2000x64xf32>
    %get3A_81 = arith.constant 0 : index
    %get3A_82 = arith.constant 0 : index
    %get3A_83 = vector.load %arg18[%get3A_81, %get3A_82] : memref<1x64xf32, #tpu.memory_space<vmem>>, vector<1x64xf32>
    %mul3A_84 = vector.broadcast %add3A_21 : vector<2000x1xf32> to vector<2000x64xf32>
    %mul3A_85 = arith.mulf %mul3A_84, %add3A_80 : vector<2000x64xf32>
    %reduce_sum3A_86 = arith.constant dense<0.000000e+00> : vector<64xf32>
    %reduce_sum3A_87 = vector.multi_reduction <add>, %mul3A_85, %reduce_sum3A_86 [0] : vector<2000x64xf32> to vector<64xf32>
    %broadcast_in_dim3A_88 = vector.shape_cast %reduce_sum3A_87 : vector<64xf32> to vector<1x64xf32>
    %add3A_89 = arith.addf %get3A_83, %broadcast_in_dim3A_88 : vector<1x64xf32>
    %swap3A_90 = arith.constant 0 : index
    %swap3A_91 = arith.constant 0 : index
    %swap3A_92 = vector.load %arg18[%swap3A_90, %swap3A_91] : memref<1x64xf32, #tpu.memory_space<vmem>>, vector<1x64xf32>
    tpu.vector_store %arg18[%swap3A_90, %swap3A_91], %add3A_89 {strides = array<i32>} : memref<1x64xf32, #tpu.memory_space<vmem>>, vector<1x64xf32>,
    %eq3A_93 = arith.constant 159 : i32
    %eq3A_94 = arith.cmpi eq, %arg0, %eq3A_93 : i32
    %convert_element_type3A_95 = arith.extui %eq3A_94 : i1 to i32
    %cond3A_96 = arith.constant 0 : i32
    %cond3A_97 = arith.cmpi ne, %convert_element_type3A_95, %cond3A_96 : i32
    scf.if %cond3A_97 {
      %get3A_98 = arith.constant 0 : index
      %get3A_99 = arith.constant 0 : index
      %get3A_100 = vector.load %arg12[%get3A_98, %get3A_99] : memref<1x64xf32, #tpu.memory_space<vmem>>, vector<1x64xf32>
      %mul3A_101 = arith.constant 9.99999974E-5 : f32
      %mul3A_102 = vector.broadcast %mul3A_101 : f32 to vector<1x64xf32>
      %mul3A_103 = arith.mulf %get3A_100, %mul3A_102 : vector<1x64xf32>
      %get3A_104 = arith.constant 0 : index
      %get3A_105 = arith.constant 0 : index
      %get3A_106 = vector.load %arg17[%get3A_104, %get3A_105] : memref<1x64xf32, #tpu.memory_space<vmem>>, vector<1x64xf32>
      %mul3A_107 = arith.constant 2.000000e-04 : f32
      %mul3A_108 = vector.broadcast %mul3A_107 : f32 to vector<1x64xf32>
      %mul3A_109 = arith.mulf %get3A_106, %mul3A_108 : vector<1x64xf32>
      %add3A_110 = arith.addf %mul3A_103, %mul3A_109 : vector<1x64xf32>
      %get3A_111 = arith.constant 0 : index
      %get3A_112 = arith.constant 0 : index
      %get3A_113 = vector.load %arg18[%get3A_111, %get3A_112] : memref<1x64xf32, #tpu.memory_space<vmem>>, vector<1x64xf32>
      %mul3A_114 = arith.constant 3.125000e-06 : f32
      %mul3A_115 = vector.broadcast %mul3A_114 : f32 to vector<1x64xf32>
      %mul3A_116 = arith.mulf %get3A_113, %mul3A_115 : vector<1x64xf32>
      %concatenate3A = tpu.concatenate %add3A_110, %mul3A_116 in 1 : vector<1x64xf32>, vector<1x64xf32> -> vector<1x128xf32>
      %get3A_117 = arith.constant 0 : index
      %get3A_118 = arith.constant 0 : index
      %get3A_119 = vector.load %arg13[%get3A_117, %get3A_118] : memref<128x64xf32, #tpu.memory_space<vmem>>, vector<128x64xf32>
      %dot_general3A_120 = arith.constant dense<0.000000e+00> : vector<1x64xf32>
      %dot_general3A_121 = tpu.matmul %concatenate3A, %get3A_119, %dot_general3A_120 {dimension_numbers = #tpu.dot_dimension_numbers<[1], [0], [0], [1], [0, 0, 1, 1], [], []>, transpose_lhs_hint = false} : vector<1x128xf32>, vector<128x64xf32>, vector<1x64xf32> -> vector<1x64xf32>
      %get3A_122 = arith.constant 0 : index
      %get3A_123 = arith.constant 0 : index
      %get3A_124 = vector.load %arg14[%get3A_122, %get3A_123] : memref<1x64xf32, #tpu.memory_space<vmem>>, vector<1x64xf32>
      %add3A_125 = arith.addf %dot_general3A_121, %get3A_124 : vector<1x64xf32>
      %max3A_126 = arith.constant 0.000000e+00 : f32
      %max3A_127 = vector.broadcast %max3A_126 : f32 to vector<1x64xf32>
      %max3A_128 = arith.maximumf %add3A_125, %max3A_127 : vector<1x64xf32>
      %get3A_129 = arith.constant 0 : index
      %get3A_130 = arith.constant 0 : index
      %get3A_131 = vector.load %arg15[%get3A_129, %get3A_130] : memref<64x128xf32, #tpu.memory_space<vmem>>, vector<64x128xf32>
      %dot_general3A_132 = arith.constant dense<0.000000e+00> : vector<1x128xf32>
      %dot_general3A_133 = tpu.matmul %max3A_128, %get3A_131, %dot_general3A_132 {dimension_numbers = #tpu.dot_dimension_numbers<[1], [0], [0], [1], [0, 0, 1, 1], [], []>, transpose_lhs_hint = false} : vector<1x64xf32>, vector<64x128xf32>, vector<1x128xf32> -> vector<1x128xf32>
      %get3A_134 = arith.constant 0 : index
      %get3A_135 = arith.constant 0 : index
      %get3A_136 = vector.load %arg16[%get3A_134, %get3A_135] : memref<1x128xf32, #tpu.memory_space<vmem>>, vector<1x128xf32>
      %add3A_137 = arith.addf %dot_general3A_133, %get3A_136 : vector<1x128xf32>
      %swap3A_138 = arith.constant 0 : index
      %swap3A_139 = arith.constant 0 : index
      %swap3A_140 = vector.load %arg19[%swap3A_138, %swap3A_139] : memref<1x128xf32, #tpu.memory_space<vmem>>, vector<1x128xf32>
      tpu.vector_store %arg19[%swap3A_138, %swap3A_139], %add3A_137 {strides = array<i32>} : memref<1x128xf32, #tpu.memory_space<vmem>>, vector<1x128xf32>,
    } else {
    }
    return
  }
  func.func @transform_0(%arg0: i32) -> (i32, i32) {
    %c0_i32 = arith.constant 0 : i32
    %c0_i32_0 = arith.constant 0 : i32
    %c0_i32_1 = arith.constant 0 : i32
    return %c0_i32, %c0_i32_0 : i32, i32
  }
  func.func @transform_1(%arg0: i32) -> (i32, i32) {
    %c0_i32 = arith.constant 0 : i32
    %c0_i32_0 = arith.constant 0 : i32
    %c0_i32_1 = arith.constant 0 : i32
    return %c0_i32, %c0_i32_0 : i32, i32
  }
  func.func @transform_2(%arg0: i32) -> (i32, i32) {
    %c0_i32 = arith.constant 0 : i32
    %c0_i32_0 = arith.constant 0 : i32
    return %arg0, %c0_i32 : i32, i32
  }
  func.func @transform_3(%arg0: i32) -> (i32, i32) {
    %c0_i32 = arith.constant 0 : i32
    %c0_i32_0 = arith.constant 0 : i32
    return %arg0, %c0_i32 : i32, i32
  }
  func.func @transform_4(%arg0: i32) -> (i32, i32) {
    %c0_i32 = arith.constant 0 : i32
    %c0_i32_0 = arith.constant 0 : i32
    return %arg0, %c0_i32 : i32, i32
  }
  func.func @transform_5(%arg0: i32) -> (i32, i32) {
    %c0_i32 = arith.constant 0 : i32
    %c0_i32_0 = arith.constant 0 : i32
    %c0_i32_1 = arith.constant 0 : i32
    return %c0_i32, %c0_i32_0 : i32, i32
  }
  func.func @transform_6(%arg0: i32) -> (i32, i32) {
    %c0_i32 = arith.constant 0 : i32
    %c0_i32_0 = arith.constant 0 : i32
    %c0_i32_1 = arith.constant 0 : i32
    return %c0_i32, %c0_i32_0 : i32, i32
  }
  func.func @transform_7(%arg0: i32) -> (i32, i32) {
    %c0_i32 = arith.constant 0 : i32
    %c0_i32_0 = arith.constant 0 : i32
    %c0_i32_1 = arith.constant 0 : i32
    return %c0_i32, %c0_i32_0 : i32, i32
  }
  func.func @transform_8(%arg0: i32) -> (i32, i32) {
    %c0_i32 = arith.constant 0 : i32
    %c0_i32_0 = arith.constant 0 : i32
    %c0_i32_1 = arith.constant 0 : i32
    return %c0_i32, %c0_i32_0 : i32, i32
  }
  func.func @transform_9(%arg0: i32) -> (i32, i32) {
    %c0_i32 = arith.constant 0 : i32
    %c0_i32_0 = arith.constant 0 : i32
    %c0_i32_1 = arith.constant 0 : i32
    return %c0_i32, %c0_i32_0 : i32, i32
  }
  func.func @transform_10(%arg0: i32) -> (i32, i32) {
    %c0_i32 = arith.constant 0 : i32
    %c0_i32_0 = arith.constant 0 : i32
    %c0_i32_1 = arith.constant 0 : i32
    return %c0_i32, %c0_i32_0 : i32, i32
  }
  func.func @transform_11(%arg0: i32) -> (i32, i32) {
    %c0_i32 = arith.constant 0 : i32
    %c0_i32_0 = arith.constant 0 : i32
    %c0_i32_1 = arith.constant 0 : i32
    return %c0_i32, %c0_i32_0 : i32, i32
  }
  func.func @transform_12(%arg0: i32) -> (i32, i32) {
    %c0_i32 = arith.constant 0 : i32
    %c0_i32_0 = arith.constant 0 : i32
    %c0_i32_1 = arith.constant 0 : i32
    return %c0_i32, %c0_i32_0 : i32, i32
  }
  func.func @transform_13(%arg0: i32) -> (i32, i32) {
    %c0_i32 = arith.constant 0 : i32
    %c0_i32_0 = arith.constant 0 : i32
    %c0_i32_1 = arith.constant 0 : i32
    return %c0_i32, %c0_i32_0 : i32, i32
  }
  func.func @transform_14(%arg0: i32) -> (i32, i32) {
    %c0_i32 = arith.constant 0 : i32
    %c0_i32_0 = arith.constant 0 : i32
    %c0_i32_1 = arith.constant 0 : i32
    return %c0_i32, %c0_i32_0 : i32, i32
  }
  func.func @transform_15(%arg0: i32) -> (i32, i32) {
    %c0_i32 = arith.constant 0 : i32
    %c0_i32_0 = arith.constant 0 : i32
    %c0_i32_1 = arith.constant 0 : i32
    return %c0_i32, %c0_i32_0 : i32, i32
  }
  func.func @transform_16(%arg0: i32) -> (i32, i32) {
    %c0_i32 = arith.constant 0 : i32
    %c0_i32_0 = arith.constant 0 : i32
    %c0_i32_1 = arith.constant 0 : i32
    return %c0_i32, %c0_i32_0 : i32, i32
  }
  func.func @transform_17(%arg0: i32) -> (i32, i32) {
    %c0_i32 = arith.constant 0 : i32
    %c0_i32_0 = arith.constant 0 : i32
    %c0_i32_1 = arith.constant 0 : i32
    return %c0_i32, %c0_i32_0 : i32, i32
  }
  func.func @transform_18(%arg0: i32) -> (i32, i32) {
    %c0_i32 = arith.constant 0 : i32
    %c0_i32_0 = arith.constant 0 : i32
    %c0_i32_1 = arith.constant 0 : i32
    return %c0_i32, %c0_i32_0 : i32, i32
  }
}

</mosaic_0001>

<sc_bundles>
// kernel: kernel.5.cloned.1.call-start
scs
__scs_entry_jumppad:
0x0: {  	(pc) =	sbr.rel $0x88, $3  }
0x1: {  	(tag) =	ssettag $0x0;
	lr =	simm.s32 $0x1  }
0x2: {  	[smem:$0x3F8E] =	sst lr;
	_ =	strace $0xD0000000  }
0x3: {  	_ = 	snop  }
0x4: {  	_ = 	snop  }
0x5: {  	_ = 	snop  }
0x6: {  	_ = 	snop  }
0x7: {  	_ = 	snop  }
__scs_overlays_trampoline_lowered:
0x8: {  	[smem:$0x3F9D] =	sst s0  }
0x9: {  	[smem:$0x3F9E] =	sst s1  }
0xa: {  	[smem:$0x3F9F] =	sst s2  }
0xb: {  	[smem:$0x3FA0] =	sst s3  }
0xc: {  	[smem:$0x3FA1] =	sst s4  }
0xd: {  	[smem:$0x3FA2] =	sst s5  }
0xe: {  	[smem:$0x3FA3] =	sst s6  }
0xf: {  	[smem:$0x3FA4] =	sst s7  }
0x10: {  	[smem:$0x3FA5] =	sst s8  }
0x11: {  	[smem:$0x3FA6] =	sst s9;
	s0 =	simm.s32 @!p0 $0x0  }
0x12: {  	s1 =	sld [smem:$0x3F8C];
	s0 =	simm.s32 @p0 $0x1  }
0x13: {  	[smem:$0x3FA7] =	sst s0;
	s0 =	simm.s32 @!p1 $0x0  }
0x14: {  	s2 =	sld [smem:$0x3F8B];
	s0 =	simm.s32 @p1 $0x1  }
0x15: {  	[smem:$0x3FA8] =	sst s0;
	s0 =	simm.s32 @!p2 $0x0  }
0x16: {  	s3 =	sld [smem:$0x3FDB];
	s0 =	simm.s32 @p2 $0x1  }
0x17: {  	s4 =	simm.s32 $0x1BF5;
	[smem:$0x3FAA] =	sst s0  }
0x18: {  	s0 =	sld [smem:$0x3F8D];
	_ =	swait.ge [sflag:s4], $0x0  }
0x19: {  	s7 =	sld [smem:$0x3F8E]  }
0x1a: {  	s8 =	sadd.s32 $0xFFFFE003, lr  }
0x1b: {  	s9 =	sadd.s32 $0xFFFFFEF7, lr;
	s5 =	simm.s32 $0xFFFFFFFF;
	p2 =	slt.u32 s8, $0xFFFFF086  }
0x1c: {  	p1 =	slt.u32 s9, $0xF7A;
	s5 =	simm.s32 @!p2 $0x0  }
0x1d: {  	s5 =	simm.s32 @p1 $0x1;
	p0 =	seq.s32 s7, s2  }
0x1e: {  	s7 =	smul.u32 @!p0 $0xF7A, s2;
	p2 =	seq.s32 @!p0 s5, $0x0  }
0x1f: {  	s9 =	smul.u32 $0xF7A, s1;
	s8 =	simm.s32 @!p0 $0x1BF5;
	p2 =	por !p2, p0  }
0x20: {  	[sflag:s8] =	ssyncset.s32 @!p0 $0xFFFFF086;
	s6 =	sadd.s32 @!p0 s3, s7;
	s7 =	simm.s32 @!p0 $0x108  }
0x21: {  	s3 =	sadd.s32 s3, s9;
	s6 =	sadd.s32 @!p0 $0x88, s6;
	s7 =	simm.s32 @p2 $0x1082  }
0x22: {  	[simem:s7], [sflag:s8] =	dma.local @!p0 [hbm:s6], $0xF7A  }
0x23: {  	s9 =	sor.u32 $0xD0000000, s2;
	s6 =	simm.s32 $0x108;
	_ =	swait.ge @!p0 [sflag:s8], $0x0  }
0x24: {  	s3 =	sadd.s32 $0x88, s3;
	s6 =	simm.s32 @!p1 $0x1082;
	[sflag:s4] =	ssyncset.s32 $0xFFFFF086  }
0x25: {  	[simem:s6], [sflag:s4] =	dma.local [hbm:s3], $0xF7A  }
0x26: {  	[smem:$0x3F8E] =	sst s1;
	(tag) =	ssettag s2;
	_ =	strace s9  }
0x27: {  	s1 =	sld [smem:$0x3F9E]  }
0x28: {  	s2 =	sld [smem:$0x3F9F]  }
0x29: {  	s4 =	sld [smem:$0x3FA1]  }
0x2a: {  	p0 =	seq.s32 s5, $0x0;
	s5 =	sld [smem:$0x3FA2]  }
0x2b: {  	s6 =	sld [smem:$0x3FA3]  }
0x2c: {  	s7 =	sld [smem:$0x3FA4]  }
0x2d: {  	s3 =	simm.s32 $0x108;
	s8 =	sld [smem:$0x3FA5]  }
0x2e: {  	s3 =	simm.s32 @!p0 $0x1082;
	s9 =	sld [smem:$0x3FA6]  }
0x2f: {  	lr =	sadd.s32 s0, s3;
	s0 =	sld [smem:$0x3F9D]  }
0x30: {  	s3 =	sld [smem:$0x3FA0]  }
0x31: {  	[smem:$0x3FA9] =	sst s10  }
0x32: {  	s10 =	sld [smem:$0x3FA7];
	_ =	sdelay $0x3  }
0x33: {  	p0 =	seq.s32 s10, $0x1;
	s10 =	sld [smem:$0x3FA9];
	_ =	sdelay $0x3  }
0x34: {  	[smem:$0x3FA9] =	sst s10  }
0x35: {  	s10 =	sld [smem:$0x3FA8];
	_ =	sdelay $0x3  }
0x36: {  	p1 =	seq.s32 s10, $0x1;
	s10 =	sld [smem:$0x3FA9];
	_ =	sdelay $0x3  }
0x37: {  	[smem:$0x3FA9] =	sst s10  }
0x38: {  	s10 =	sld [smem:$0x3FAA]  }
0x39: {  	_ = 	snop;
	(pc) =	sbr.ind lr, $3  }
0x3a: {  	_ = 	snop  }
0x3b: {  	_ = 	snop  }
0x3c: {  	p2 =	seq.s32 s10, $0x1;
	s10 =	sld [smem:$0x3FA9]  }
0x3d: {  	_ =	shalt  }
0x3e: {  	_ =	shalt  }
0x3f: {  	_ =	shalt  }
0x40: {  	_ =	shalt  }
0x41: {  	_ =	shalt  }
0x42: {  	_ =	shalt  }
0x43: {  	_ =	shalt  }
0x44: {  	_ =	shalt  }
0x45: {  	_ =	shalt  }
0x46: {  	_ =	shalt  }
0x47: {  	_ =	shalt  }
0x48: {  	_ =	shalt  }
0x49: {  	_ =	shalt  }
0x4a: {  	_ =	shalt  }
0x4b: {  	_ =	shalt  }
0x4c: {  	_ =	shalt  }
0x4d: {  	_ =	shalt  }
0x4e: {  	_ =	shalt  }
0x4f: {  	_ =	shalt  }
0x50: {  	_ =	shalt  }
0x51: {  	_ =	shalt  }
0x52: {  	_ =	shalt  }
0x53: {  	_ =	shalt  }
0x54: {  	_ =	shalt  }
0x55: {  	_ =	shalt  }
0x56: {  	_ =	shalt  }
0x57: {  	_ =	shalt  }
0x58: {  	_ =	shalt  }
0x59: {  	_ =	shalt  }
0x5a: {  	_ =	shalt  }
0x5b: {  	_ =	shalt  }
0x5c: {  	_ =	shalt  }
0x5d: {  	_ =	shalt  }
0x5e: {  	_ =	shalt  }
0x5f: {  	_ =	shalt  }
0x60: {  	_ =	shalt  }
0x61: {  	_ =	shalt  }
0x62: {  	_ =	shalt  }
0x63: {  	_ =	shalt  }
0x64: {  	_ =	shalt  }
0x65: {  	_ =	shalt  }
0x66: {  	_ =	shalt  }
0x67: {  	_ =	shalt  }
0x68: {  	_ =	shalt  }
0x69: {  	_ =	shalt  }
0x6a: {  	_ =	shalt  }
0x6b: {  	_ =	shalt  }
0x6c: {  	_ =	shalt  }
0x6d: {  	_ =	shalt  }
0x6e: {  	_ =	shalt  }
0x6f: {  	_ =	shalt  }
0x70: {  	_ =	shalt  }
0x71: {  	_ =	shalt  }
0x72: {  	_ =	shalt  }
0x73: {  	_ =	shalt  }
0x74: {  	_ =	shalt  }
0x75: {  	_ =	shalt  }
0x76: {  	_ =	shalt  }
0x77: {  	_ =	shalt  }
0x78: {  	_ =	shalt  }
0x79: {  	_ =	shalt  }
0x7a: {  	_ =	shalt  }
0x7b: {  	_ =	shalt  }
0x7c: {  	_ =	shalt  }
0x7d: {  	_ =	shalt  }
0x7e: {  	_ =	shalt  }
0x7f: {  	_ =	shalt  }
0x80: {  	_ =	shalt  }
0x81: {  	_ =	shalt  }
0x82: {  	_ =	shalt  }
0x83: {  	_ =	shalt  }
0x84: {  	_ =	shalt  }
0x85: {  	_ =	shalt  }
0x86: {  	_ =	shalt  }
0x87: {  	_ =	shalt  }
.Lfunc_end0:
.L_simem_size_0:
called_computation_lowered:
.L_overlay_start_0:
0x88: {  	s2 =	sld [smem:$0x3FD9]  }
0x89: {  	s3 =	sld [smem:$0x3FFE];
	_ =	sdelay $0x1  }
0x8a: {  	s1 =	srdreg.scid  }
0x8b: {  	s0 =	sand.u32 $0x1, s1  }
0x8c: {  	s16 =	sshll.u32 s0, $0xA;
	s2 =	sadd.s32 s3, s2  }
0x8d: {  	s2 =	sadd.s32 s2, s16  }
0x8e: {  	[smem:$0x3FB5] =	sst s2  }
0x8f: {  	_ = 	snop  }
0x90: {  	(tm) =	ssettm $0x1  }
0x91: {  	s17 =	sld [smem:$0x3FFB];
	_ =	sdelay $0x3  }
0x92: {  	_ =	strace s17  }
0x93: {  	s2 =	sld [smem:$0x3FFC];
	_ =	sdelay $0x3  }
0x94: {  	_ =	strace s2  }
0x95: {  	s2 =	sld [smem:$0x3FFD];
	_ =	sdelay $0x3  }
0x96: {  	_ =	strace s2  }
0x97: {  	_ =	strace $0x8FFFFFFF  }
0x98: {  	s18 =	sld [smem:$0x3FDB];
	_ =	sdelay $0x1  }
0x99: {  	s19 =	simm.s32 $_scs_section_size  }
0x9a: {  	s4 =	simm.s32 $_size__tile_overlayer_lowered;
	s5 =	simm.s32 $_tile_overlayer_lowered  }
0x9b: {  	s22 =	simm.s32 $0x1BFF;
	s21 =	sshll.u32 s5, $0x1;
	s2 =	sadd.s32 s19, s18  }
0x9c: {  	s6 =	simm.s32 $0x0;
	s20 =	sshll.u32 s4, $0x1;
	s4 =	sadd.s32 s21, s2  }
0x9d: {  	[timem:s6], [sflag:s22] =	dma.local [hbm:s4], s20  }
0x9e: {  	_ =	swait.ge [sflag:s22], s20  }
0x9f: {  	s3 =	ssub.s32 $0x0, s20;
	[sflag:s22] =	ssyncset.done $0x0  }
0xa0: {  	[sflag:s22] =	ssyncadd.s32 s3;
	_ =	sdelay $0x1  }
0xa1: {  	s23 =	simm.s32 $0x1B8B  }
0xa2: {  	_ =	swait.ge [sflag:s23], $0x1  }
0xa3: {  	[sflag:s23] =	ssyncset.done $0x0  }
0xa4: {  	s25 =	simm.s32 $0x1B8E;
	s24 =	sld [smem:$0x3FFE];
	[sflag:s23] =	ssyncadd.s32 $0xFFFFFFFF  }
0xa5: {  	s26 =	simm.s32 $execute0_lowered;
	[smem:$0x3FD2] =	sst s25  }
0xa6: {  	s4 =	sshll.u32 s26, $0x1;
	_ =	strace $0x80000046;
	[dreg:$0x1] =	wrdreg $0xFFFFFFFF  }
0xa7: {  	s28 =	simm.s32 $_size_execute0_lowered;
	s2 =	sadd.s32 s2, s4;
	[dreg:$0x0] =	wrdreg $0x0  }
0xa8: {  	s4 =	sshll.u32 s28, $0x1;
	[dreg:$0x2] =	wrdreg s2  }
0xa9: {  	[dreg:$0x3] =	wrdreg s4  }
0xaa: {  	[dreg:$0x4] =	wrdreg $0xC0  }
0xab: {  	_ =	task [dreg:s6], $0x5FFFF  }
0xac: {  	[dreg:$0x1] =	wrdreg $0xFFFFFFFF  }
0xad: {  	[dreg:$0x0] =	wrdreg $0x60  }
0xae: {  	[dreg:$0x2] =	wrdreg s24  }
0xaf: {  	[dreg:$0x3] =	wrdreg $0x0  }
0xb0: {  	[dreg:$0x4] =	wrdreg $0x9  }
0xb1: {  	_ =	task.clear_ibuf [dreg:s6], $0x5FFFF;
	_ =	strace $0x90000046  }
0xb2: {  	s29 =	simm.s32 $0x9;
	_ =	strace $0x80000048  }
0xb3: {  	_ =	swait.ge [sflag:s29], $0x1  }
0xb4: {  	[sflag:s29] =	ssyncadd.s32 $0xFFFFFFFF  }
0xb5: {  	_ =	strace $0x90000048  }
0xb6: {  	_ =	sfence  }
0xb7: {  	s30 =	sld [smem:$0x0];
	_ =	sdelay $0x2  }
0xb8: {  	s31 =	sshll.u32 s1, $0xD;
	s1 =	sshrl.u32 s1, $0x2  }
0xb9: {  	s3 =	sand.u32 $0x4000, s31;
	s1 =	sadd.s32 s1, s30  }
0xba: {  	s0 =	sor.u32 s3, s0;
	s1 =	sshll.u32 s1, $0x11  }
0xbb: {  	s0 =	sor.u32 s1, s0  }
0xbc: {  	s0 =	sadd.s32 $0x8F2B, s0  }
0xbd: {  	[sflag:s0] =	ssyncadd.remote.s32 $0x1  }
0xbe: {  	_ =	sfence.sel $0xFFFF  }
0xbf: {  	[dreg:$0x0] =	wrdreg $0xFFFFFFFF;
	(pc) =	sbr.abs _section_cstart, $3  }
0xc0: {  	[dreg:$0x1] =	wrdreg $0xFFFFFFFF  }
0xc1: {  	_ =	task.clear_ibuf [dreg:s6], $0x2FFFF;
	_ =	strace $0x9FFFFFFF  }
0xc2: {  	(tm) =	ssettm $0x7FFFFFFF  }
0xc3: {  	_ =	shalt  }
tec
execute0_lowered:
.L_overlay_start_1:
0x0: {  	(tag) =	ssettag $0x1  }
0x1: {  	s13 =	stileid.u32;
	s0 =	srdreg.scid  }
0x2: {  	s0 =	sand.u32 $0x1, s0;
	s1 =	sshll.u32 s13, $0x1  }
0x3: {  	s6 =	rddreg [dreg:$0x0];
	s4 =	smul.u32 $0x2700, s13;
	s1 =	sor.u32 s0, s1  }
0x4: {  	s7 =	simm.s32 $0x1;
	s28 =	simm.s32 $0x17440;
	s3 =	smul.u32 $0x974, s1  }
0x5: {  	s29 =	simm.s32 $0x13440;
	s30 =	simm.s32 $0x1B440;
	s10 =	smul.u32 $0x4E000, s13  }
0x6: {  	s31 =	simm.s32 $0x3;
	s17 =	sadd.s32 $0x3DC00, s6;
	s5 =	smulhi.u32 $0x8421085, s3  }
0x7: {  	s14 =	smul.u32 $0x12E8, s13;
	p0 =	seq.s32 s1, $0x0;
	s9 =	sadd.s32 s4, s6  }
0x8: {  	s4 =	simm.s32 $0x1;
	s10 =	sshrl.u32 s10, $0x2;
	s2 =	sand.u32 $0x7, s5  }
0x9: {  	s11 =	smulhi.u32 $0x1084211, s3;
	s3 =	simm.s32 $0x0;
	p1 =	sne.s32 s2, $0x0  }
0xa: {  	s9 =	sadd.s32 $0x16A00, s9;
	[smem:$0x7FF] =	sst s3;
	p0 =	por !p0, !p1  }
0xb: {  	s2 =	rddreg [dreg:$0x1];
	_ =	strace $0x80000047;
	p0 =	por !p0, !p0  }
0xc: {  	[dreg:$0x5] =	wrdreg s9;
	s10 =	sadd.s32 s10, s2;
	s7 =	simm.s32 @!p0 $0x0  }
0xd: {  	s1 =	ssub.s32 s11, s7;
	s11 =	ssub.s32 $0x2, s0;
	s0 =	smul.u32 $0x974, s0  }
0xe: {  	s8 =	sshll.u32 s1, $0x7;
	s12 =	sshrl.u32 s11, $0x1;
	s1 =	sshll.u32 s1, $0x3  }
0xf: {  	s8 =	sand.u32 $0x1FFFFF80, s8;
	s11 =	ssub.s32 s11, s12;
	s12 =	sshll.u32 s13, $0x6  }
0x10: {  	s1 =	ssub.s32 s5, s1;
	s0 =	sadd.s32 s0, s14;
	s9 =	sor.u32 $0x1C09, s12  }
0x11: {  	s5 =	sshll.u32 s5, $0xB;
	s16 =	smax.u32 s11, $0x1;
	[dreg:$0x6] =	wrdreg s9  }
0x12: {  	s8 =	sadd.s32 s8, s6;
	s22 =	sadd.s32 s17, s5;
	[dreg:$0x9] =	wrdreg s16  }
0x13: {  	s6 =	sadd.s32 $0x51FC00, s6;
	s15 =	sadd.s32 $0x2E00, s8;
	[dreg:$0xe] =	wrdreg s22  }
0x14: {  	s1 =	sshll.u32 s1, $0x7;
	s8 =	sadd.s32 $0xCC00, s8;
	[dreg:$0x7] =	wrdreg s15  }
0x15: {  	s20 =	smulhi.u32 $0x8421085, s0;
	s18 =	sadd.s32 $0x9C40, s1;
	[dreg:$0x8] =	wrdreg s8  }
0x16: {  	s0 =	smulhi.u32 $0x1084211, s0;
	s19 =	sadd.s32 $0xC840, s1;
	[dreg:$0xa] =	wrdreg s18  }
0x17: {  	s23 =	sadd.s32 $0x800, s5;
	s21 =	sadd.s32 $0x9CC0, s1;
	[dreg:$0xb] =	wrdreg s19  }
0x18: {  	s1 =	sadd.s32 $0xC8C0, s1;
	s16 =	sadd.s32 s17, s23;
	[dreg:$0xc] =	wrdreg s21  }
0x19: {  	s22 =	simm.s32 $0x5;
	[dreg:$0xd] =	wrdreg s1;
	s15 =	sadd.s32 s6, s5  }
0x1a: {  	s24 =	sshll.u32 s20, $0xB;
	s0 =	ssub.s32 s0, s7;
	s26 =	sshll.u32 s20, $0x9  }
0x1b: {  	s20 =	sshrl.u32 s10, $0x3;
	s21 =	simm.s32 $0x9;
	s1 =	simm.s32 $0x2  }
0x1c: {  	s7 =	simm.s32 $0x0;
	s25 =	sadd.s32 s24, s6;
	s0 =	sshll.u32 s0, $0xC  }
0x1d: {  	s5 =	sadd.s32 s24, s17;
	s17 =	sadd.s32 s6, s23;
	s24 =	simm.s32 $0x80  }
0x1e: {  	s23 =	simm.s32 $0x7;
	s6 =	simm.s32 $0x8;
	[dreg:$0x3] =	wrdreg s25  }
0x1f: {  	s0 =	ssub.s32 $0x0, s0;
	[dreg:$0x4] =	wrdreg s5;
	s25 =	sshrl.u32 s26, $0x2  }
0x20: {  	s26 =	simm.s32 $0xF440;
	s5 =	simm.s32 $0x6;
	s0 =	sshra.s32 s0, $0x2  }
0x21: {  	s18 =	sadd.s32 $0x9C40, s0;
	s19 =	sadd.s32 $0xC840, s0;
	s0 =	simm.s32 $0x4  }
.LBB2_1:
0x22: {  	s8 =	rddreg [dreg:$0x5]  }
0x23: {  	s9 =	rddreg [dreg:$0x6]  }
0x24: {  	[spmem:s20], [sflag:s9] =	dma.local [hbm:s8], $0x2800  }
0x25: {  	_ =	swait.ge [sflag:s21], $0x2800  }
0x26: {  	[sflag:s21] =	ssyncset.done $0x0  }
0x27: {  	[sflag:s21] =	ssyncadd.s32 $0xFFFFD800  }
0x28: {  	[bflag:$0x0] =	sbarrier.arrive $0xFFFF  }
0x29: {  	s10 =	simm.s32 $0x9C40;
	s9 =	rddreg [dreg:$0x7]  }
0x2a: {  	[tilespmem:s10], [sflag:$0x9] =	stream.linear.gather [hbm4b:s9+s3], $0x2C00, $0x38;
	[tilespmem:$0x1F440] =	vst v63  }
0x2b: {  	_ =	swait.ge [sflag:s21], $0x2C00  }
0x2c: {  	[sflag:s21] =	ssyncset.done $0x0  }
0x2d: {  	s12 =	simm.s32 $0xC840;
	s11 =	rddreg [dreg:$0x8];
	[sflag:s21] =	ssyncadd.s32 $0xFFFFD400  }
0x2e: {  	[tilespmem:s12], [sflag:$0x9] =	stream.linear.gather [hbm4b:s11+s3], $0x2C00, $0x38;
	[tilespmem:$0x1F440] =	vst v63  }
0x2f: {  	_ =	swait.ge [sflag:s21], $0x2C00  }
0x30: {  	[sflag:s21] =	ssyncset.done $0x0  }
0x31: {  	s13 =	rddreg [dreg:$0xa];
	[sflag:s21] =	ssyncadd.s32 $0xFFFFD400  }
0x32: {  	[tilespmem:s26], [sflag:$0x1] =	stream.indirect.gather [spmem:s2], $0x40, s13, s24, $0xb8;
	[tilespmem:$0x1F440] =	vst v63  }
0x33: {  	s14 =	rddreg [dreg:$0xb]  }
0x34: {  	[tilespmem:s28], [sflag:$0x3] =	stream.indirect.gather [spmem:s2], $0x40, s14, s24, $0xb8;
	[tilespmem:$0x1F440] =	vst v63  }
0x35: {  	s9 =	rddreg [dreg:$0xc]  }
0x36: {  	[tilespmem:s29], [sflag:$0x2] =	stream.indirect.gather [spmem:s2], $0x40, s9, s24, $0xb8;
	[tilespmem:$0x1F440] =	vst v63  }
0x37: {  	s10 =	rddreg [dreg:$0xd]  }
0x38: {  	[tilespmem:s30], [sflag:$0x4] =	stream.indirect.gather [spmem:s2], $0x40, s10, s24, $0xb8;
	[tilespmem:$0x1F440] =	vst v63  }
0x39: {  	_ =	swait.ge [sflag:s4], $0x2000  }
0x3a: {  	[sflag:s4] =	ssyncset.done $0x0  }
0x3b: {  	s11 =	rddreg [dreg:$0xe];
	[sflag:s4] =	ssyncadd.s32 $0xFFFFE000  }
0x3c: {  	[hbm4b:s11+s3] =	stream.linear.scatter [tilespmem:s26], [sflag:$0x5], $0x4000, $0x38;
	[tilespmem:$0x1F440] =	vst v63  }
0x3d: {  	_ =	swait.ge [sflag:s31], $0x2000  }
0x3e: {  	[sflag:s31] =	ssyncset.done $0x0  }
0x3f: {  	[sflag:s31] =	ssyncadd.s32 $0xFFFFE000  }
0x40: {  	[hbm4b:s15+s3] =	stream.linear.scatter [tilespmem:s28], [sflag:$0x7], $0x4000, $0x38;
	[tilespmem:$0x1F440] =	vst v63  }
0x41: {  	_ =	swait.ge [sflag:s1], $0x2000  }
0x42: {  	[sflag:s1] =	ssyncset.done $0x0  }
0x43: {  	[sflag:s1] =	ssyncadd.s32 $0xFFFFE000  }
0x44: {  	[hbm4b:s16+s3] =	stream.linear.scatter [tilespmem:s29], [sflag:$0x6], $0x4000, $0x38;
	[tilespmem:$0x1F440] =	vst v63  }
0x45: {  	_ =	swait.ge [sflag:s0], $0x2000  }
0x46: {  	[sflag:s0] =	ssyncset.done $0x0  }
0x47: {  	[sflag:s0] =	ssyncadd.s32 $0xFFFFE000  }
0x48: {  	[hbm4b:s17+s3] =	stream.linear.scatter [tilespmem:s30], [sflag:$0x8], $0x4000, $0x38;
	[tilespmem:$0x1F440] =	vst v63  }
0x49: {  	_ =	swait.ge [sflag:s22], $0x4000  }
0x4a: {  	[sflag:s22] =	ssyncset.done $0x0  }
0x4b: {  	[sflag:s22] =	ssyncadd.s32 $0xFFFFC000  }
0x4c: {  	_ =	swait.ge [sflag:s23], $0x4000  }
0x4d: {  	[sflag:s23] =	ssyncset.done $0x0  }
0x4e: {  	[sflag:s23] =	ssyncadd.s32 $0xFFFFC000  }
0x4f: {  	_ =	swait.ge [sflag:s5], $0x4000  }
0x50: {  	[sflag:s5] =	ssyncset.done $0x0  }
0x51: {  	[sflag:s5] =	ssyncadd.s32 $0xFFFFC000  }
0x52: {  	_ =	swait.ge [sflag:s6], $0x4000  }
0x53: {  	s12 =	sadd.s32 s25, s18;
	[sflag:s6] =	ssyncset.done $0x0  }
0x54: {  	s13 =	sadd.s32 $0x100, s12;
	s10 =	sadd.s32 s25, s19;
	[sflag:s6] =	ssyncadd.s32 $0xFFFFC000  }
0x55: {  	[tilespmem:s26], [sflag:$0x1] =	stream.indirect.gather [spmem:s2], $0x40, s13, s24, $0xb8;
	[tilespmem:$0x1F440] =	vst v63  }
0x56: {  	s14 =	sadd.s32 $0x100, s10  }
0x57: {  	[tilespmem:s28], [sflag:$0x3] =	stream.indirect.gather [spmem:s2], $0x40, s14, s24, $0xb8;
	[tilespmem:$0x1F440] =	vst v63  }
0x58: {  	s8 =	sadd.s32 $0x180, s12  }
0x59: {  	[tilespmem:s29], [sflag:$0x2] =	stream.indirect.gather [spmem:s2], $0x40, s8, s24, $0xb8;
	[tilespmem:$0x1F440] =	vst v63  }
0x5a: {  	s10 =	sadd.s32 $0x180, s10  }
0x5b: {  	[tilespmem:s30], [sflag:$0x4] =	stream.indirect.gather [spmem:s2], $0x40, s10, s24, $0xb8;
	[tilespmem:$0x1F440] =	vst v63  }
0x5c: {  	_ =	swait.ge [sflag:s4], $0x2000  }
0x5d: {  	s11 =	rddreg [dreg:$0x4]  }
0x5e: {  	[sflag:s4] =	ssyncset.done $0x0;
	s8 =	sadd.s32 $0x0, s11  }
0x5f: {  	[sflag:s4] =	ssyncadd.s32 $0xFFFFE000;
	s12 =	sadd.s32 $0x1000, s8  }
0x60: {  	[hbm4b:s12+s3] =	stream.linear.scatter [tilespmem:s26], [sflag:$0x5], $0x4000, $0x38;
	[tilespmem:$0x1F440] =	vst v63  }
0x61: {  	_ =	swait.ge [sflag:s31], $0x2000  }
0x62: {  	s13 =	rddreg [dreg:$0x3]  }
0x63: {  	[sflag:s31] =	ssyncset.done $0x0;
	s14 =	sadd.s32 $0x0, s13  }
0x64: {  	[sflag:s31] =	ssyncadd.s32 $0xFFFFE000;
	s9 =	sadd.s32 $0x1000, s14  }
0x65: {  	[hbm4b:s9+s3] =	stream.linear.scatter [tilespmem:s28], [sflag:$0x7], $0x4000, $0x38;
	[tilespmem:$0x1F440] =	vst v63  }
0x66: {  	_ =	swait.ge [sflag:s1], $0x2000  }
0x67: {  	[sflag:s1] =	ssyncset.done $0x0  }
0x68: {  	s8 =	sadd.s32 $0x1800, s8;
	[sflag:s1] =	ssyncadd.s32 $0xFFFFE000  }
0x69: {  	[hbm4b:s8+s3] =	stream.linear.scatter [tilespmem:s29], [sflag:$0x6], $0x4000, $0x38;
	[tilespmem:$0x1F440] =	vst v63  }
0x6a: {  	_ =	swait.ge [sflag:s0], $0x2000  }
0x6b: {  	s10 =	sadd.s32 $0x100, s18;
	s11 =	sadd.s32 $0x1800, s14;
	[sflag:s0] =	ssyncset.done $0x0  }
0x6c: {  	s9 =	sadd.s32 $0x100, s19;
	s8 =	simm.s32 $0x1000;
	[sflag:s0] =	ssyncadd.s32 $0xFFFFE000  }
.LBB2_2:
0x6d: {  	[hbm4b:s11+s3] =	stream.linear.scatter [tilespmem:s30], [sflag:$0x8], $0x4000, $0x38;
	[tilespmem:$0x1F440] =	vst v63  }
0x6e: {  	_ =	swait.ge [sflag:s22], $0x4000  }
0x6f: {  	[sflag:s22] =	ssyncset.done $0x0  }
0x70: {  	[sflag:s22] =	ssyncadd.s32 $0xFFFFC000  }
0x71: {  	_ =	swait.ge [sflag:s23], $0x4000  }
0x72: {  	[sflag:s23] =	ssyncset.done $0x0  }
0x73: {  	[sflag:s23] =	ssyncadd.s32 $0xFFFFC000  }
0x74: {  	_ =	swait.ge [sflag:s5], $0x4000  }
0x75: {  	[sflag:s5] =	ssyncset.done $0x0  }
0x76: {  	[sflag:s5] =	ssyncadd.s32 $0xFFFFC000  }
0x77: {  	_ =	swait.ge [sflag:s6], $0x4000  }
0x78: {  	s12 =	sadd.s32 s25, s10;
	[sflag:s6] =	ssyncset.done $0x0  }
0x79: {  	s14 =	sadd.s32 s25, s9;
	s13 =	sadd.s32 $0x100, s12;
	[sflag:s6] =	ssyncadd.s32 $0xFFFFC000  }
0x7a: {  	[tilespmem:s26], [sflag:$0x1] =	stream.indirect.gather [spmem:s2], $0x40, s13, s24, $0xb8;
	[tilespmem:$0x1F440] =	vst v63  }
0x7b: {  	s13 =	sadd.s32 $0x100, s14  }
0x7c: {  	[tilespmem:s28], [sflag:$0x3] =	stream.indirect.gather [spmem:s2], $0x40, s13, s24, $0xb8;
	[tilespmem:$0x1F440] =	vst v63  }
0x7d: {  	s12 =	sadd.s32 $0x180, s12  }
0x7e: {  	[tilespmem:s29], [sflag:$0x2] =	stream.indirect.gather [spmem:s2], $0x40, s12, s24, $0xb8;
	[tilespmem:$0x1F440] =	vst v63  }
0x7f: {  	s14 =	sadd.s32 $0x180, s14  }
0x80: {  	[tilespmem:s30], [sflag:$0x4] =	stream.indirect.gather [spmem:s2], $0x40, s14, s24, $0xb8;
	[tilespmem:$0x1F440] =	vst v63  }
0x81: {  	_ =	swait.ge [sflag:s4], $0x2000  }
0x82: {  	s11 =	smov.u32 s8;
	s13 =	rddreg [dreg:$0x4]  }
0x83: {  	[sflag:s4] =	ssyncset.done $0x0;
	s12 =	sadd.s32 s11, s13  }
0x84: {  	[sflag:s4] =	ssyncadd.s32 $0xFFFFE000;
	s14 =	sadd.s32 $0x1000, s12  }
0x85: {  	[hbm4b:s14+s3] =	stream.linear.scatter [tilespmem:s26], [sflag:$0x5], $0x4000, $0x38;
	[tilespmem:$0x1F440] =	vst v63  }
0x86: {  	_ =	swait.ge [sflag:s31], $0x2000  }
0x87: {  	s14 =	rddreg [dreg:$0x3]  }
0x88: {  	[sflag:s31] =	ssyncset.done $0x0;
	s11 =	sadd.s32 s11, s14  }
0x89: {  	[sflag:s31] =	ssyncadd.s32 $0xFFFFE000;
	s13 =	sadd.s32 $0x1000, s11  }
0x8a: {  	[hbm4b:s13+s3] =	stream.linear.scatter [tilespmem:s28], [sflag:$0x7], $0x4000, $0x38;
	[tilespmem:$0x1F440] =	vst v63  }
0x8b: {  	_ =	swait.ge [sflag:s1], $0x2000  }
0x8c: {  	p0 =	sne.s32 s8, $0x26000;
	[sflag:s1] =	ssyncset.done $0x0  }
.Ltmp0:
0x8d: {  	s12 =	sadd.s32 $0x1800, s12;
	[sflag:s1] =	ssyncadd.s32 $0xFFFFE000;
	(pc) =	sbr.rel @p0 .LBB2_2-.Ltmp0, $4  }
0x8e: {  	[hbm4b:s12+s3] =	stream.linear.scatter [tilespmem:s29], [sflag:$0x6], $0x4000, $0x38;
	[tilespmem:$0x1F440] =	vst v63  }
0x8f: {  	_ =	swait.ge [sflag:s0], $0x2000  }
0x90: {  	s8 =	sadd.s32 $0x1000, s8;
	s9 =	sadd.s32 $0x100, s9;
	[sflag:s0] =	ssyncset.done $0x0  }
0x91: {  	s10 =	sadd.s32 $0x100, s10;
	s11 =	sadd.s32 $0x1800, s11;
	[sflag:s0] =	ssyncadd.s32 $0xFFFFE000  }
0x92: {  	[hbm4b:s11+s3] =	stream.linear.scatter [tilespmem:s30], [sflag:$0x8], $0x4000, $0x38;
	[tilespmem:$0x1F440] =	vst v63  }
0x93: {  	_ =	swait.ge [sflag:s22], $0x4000  }
0x94: {  	[sflag:s22] =	ssyncset.done $0x0  }
0x95: {  	[sflag:s22] =	ssyncadd.s32 $0xFFFFC000  }
0x96: {  	_ =	swait.ge [sflag:s23], $0x4000  }
0x97: {  	[sflag:s23] =	ssyncset.done $0x0  }
0x98: {  	[sflag:s23] =	ssyncadd.s32 $0xFFFFC000  }
0x99: {  	_ =	swait.ge [sflag:s5], $0x4000  }
0x9a: {  	[sflag:s5] =	ssyncset.done $0x0  }
0x9b: {  	[sflag:s5] =	ssyncadd.s32 $0xFFFFC000  }
0x9c: {  	_ =	swait.ge [sflag:s6], $0x4000  }
0x9d: {  	s7 =	sadd.s32 $0x1, s7;
	s8 =	rddreg [dreg:$0x9]  }
0x9e: {  	p0 =	sne.s32 s7, s8  }
.Ltmp1:
0x9f: {  	_ = 	snop;
	(pc) =	sbr.rel @p0 .LBB2_1-.Ltmp1, $3  }
0xa0: {  	_ =	sdelay $0x1  }
0xa1: {  	[sflag:s6] =	ssyncset.done $0x0  }
0xa2: {  	[sflag:s6] =	ssyncadd.s32 $0xFFFFC000  }
0xa3: {  	_ =	sfence.sel $0x180000  }
0xa4: {  	[bflag:$0x0] =	sbarrier.arrive $0xFFFF  }
0xa5: {  	_ =	strace $0x90000047  }
0xa6: {  	s0 =	stileid.u32;
	[bflag:$0x2] =	sbarrier.arrive $0xFFFF  }
0xa7: {  	p0 =	sne.s32 s0, $0x0;
	s0 =	rddreg [dreg:$0x2]  }
0xa8: {  	s0 =	sadd.s32 @!p0 $0x100000, s0  }
0xa9: {  	[sflag:s0] =	ssyncadd.tile.s32 @!p0 $0x1;
	_ =	shalt  }
.Lfunc_end2:
_tile_overlayer_lowered:
.L_overlay_start_2:
0xaa: {  	(tag) =	ssettag $0x2  }
0xab: {  	s0 =	rddreg [dreg:$0x0];
	s2 =	stileid.u32  }
0xac: {  	s1 =	rddreg [dreg:$0x1];
	p0 =	sne.s32 s2, $0x0  }
0xad: {  	s3 =	rddreg [dreg:$0x2];
	[bflag:$0x3] =	sbarrier.arrive $0xFFFF;
	s2 =	simm.s32 @!p0 $0x1C09  }
0xae: {  	[timem:s3], [sflag:s2] =	dma.local @!p0 [hbm:s0], s1  }
0xaf: {  	s0 =	simm.s32 @!p0 $0x9  }
0xb0: {  	_ =	swait.ge @!p0 [sflag:s0], s1  }
0xb1: {  	s1 =	ssub.s32 @!p0 $0x0, s1;
	[sflag:s0] =	ssyncset.done @!p0 $0x0  }
0xb2: {  	[sflag:s0] =	ssyncadd.s32 @!p0 s1  }
0xb3: {  	[bflag:$0x3] =	sbarrier.arrive $0xFFFF  }
0xb4: {  	_ =	shalt  }

</sc_bundles>
